<compile_context>
chip_gen: v7x
topology: tpu7x:2x2x1
jax: 0.10.2.dev20260603
libtpu: 0.0.44.dev20260713+nightly
codegen_flags: <defaults>
</compile_context>

<pallas_src>
import functools

import jax
import jax.numpy as jnp
from jax import lax
from jax.experimental import pallas as pl
from jax.experimental.pallas import tpu as pltpu
from jax.experimental.pallas import tpu_sc as plsc

_NC = 2
_NS = 16
_CHUNK = 128


def _make_sc_segsum(n_pad, n_chunks, dh, with_deg):
    rows_per_sub = n_pad // _NS
    n_pairs = n_chunks // 2
    mesh = plsc.VectorSubcoreMesh(core_axis_name="c", subcore_axis_name="s")
    out_type = [jax.ShapeDtypeStruct((_NC, n_pad, dh), jnp.float32)]
    scratch = [
        pltpu.VMEM((n_chunks, _CHUNK), jnp.int32),
        pltpu.VMEM((n_chunks, _CHUNK), jnp.int32),
        pltpu.VMEM((_CHUNK, dh), jnp.float32),
        pltpu.VMEM((_CHUNK, dh), jnp.float32),
        pltpu.VMEM_SHARED((n_pad, dh), jnp.float32),
        pltpu.SemaphoreType.DMA,
        pltpu.SemaphoreType.DMA,
    ]
    if with_deg:
        out_type.append(jax.ShapeDtypeStruct((_NC, n_pad, 16), jnp.float32))
        scratch += [
            pltpu.VMEM((_CHUNK, 16), jnp.float32),
            pltpu.VMEM_SHARED((n_pad, 16), jnp.float32),
        ]

    def body(vals, srcs, dsts, z_row, z_deg, ones, agg_out, deg_out,
             src_v, dst_v, rows_a, rows_b, acc_sh, sem_a, sem_b,
             ones_v=None, deg_sh=None):
        c = lax.axis_index("c")
        s = lax.axis_index("s")
        sl = pl.ds(s * rows_per_sub, rows_per_sub)
        pltpu.sync_copy(z_row.at[sl], acc_sh.at[sl])
        if with_deg:
            pltpu.sync_copy(z_deg.at[sl], deg_sh.at[sl])
            pltpu.sync_copy(ones, ones_v)
        pltpu.sync_copy(srcs.at[c, s], src_v)
        pltpu.sync_copy(dsts.at[s], dst_v)
        pltpu.async_copy(vals.at[src_v.at[0]], rows_a, sem_a)
        plsc.subcore_barrier()

        def pair(t, carry):
            j0 = 2 * t
            pltpu.async_copy(vals.at[src_v.at[j0 + 1]], rows_b, sem_b)
            pltpu.make_async_copy(vals.at[src_v.at[j0]], rows_a, sem_a).wait()
            pltpu.sync_copy(rows_a, acc_sh.at[dst_v.at[j0]], add=True)

            @pl.when(t < n_pairs - 1)
            def _():
                pltpu.async_copy(vals.at[src_v.at[j0 + 2]], rows_a, sem_a)

            if with_deg:
                @pl.when(c == 0)
                def _():
                    pltpu.sync_copy(ones_v, deg_sh.at[dst_v.at[j0]], add=True)

            pltpu.make_async_copy(
                vals.at[src_v.at[j0 + 1]], rows_b, sem_b).wait()
            pltpu.sync_copy(rows_b, acc_sh.at[dst_v.at[j0 + 1]], add=True)
            if with_deg:
                @pl.when(c != 0)
                def _():
                    pltpu.sync_copy(
                        ones_v, deg_sh.at[dst_v.at[j0 + 1]], add=True)
            return carry

        lax.fori_loop(0, n_pairs, pair, 0)

        plsc.subcore_barrier()
        pltpu.sync_copy(acc_sh.at[sl], agg_out.at[c, sl])
        if with_deg:
            pltpu.sync_copy(deg_sh.at[sl], deg_out.at[c, sl])

    if with_deg:
        def body_wd(vals, srcs, dsts, z_row, z_deg, ones, agg_out, deg_out,
                    src_v, dst_v, rows_a, rows_b, acc_sh, sem_a, sem_b,
                    ones_v, deg_sh):
            body(vals, srcs, dsts, z_row, z_deg, ones, agg_out, deg_out,
                 src_v, dst_v, rows_a, rows_b, acc_sh, sem_a, sem_b,
                 ones_v, deg_sh)
        fn = body_wd
    else:
        def body_nd(vals, srcs, dsts, z_row, agg_out,
                    src_v, dst_v, rows_a, rows_b, acc_sh, sem_a, sem_b):
            body(vals, srcs, dsts, z_row, None, None, agg_out, None,
                 src_v, dst_v, rows_a, rows_b, acc_sh, sem_a, sem_b)
        fn = body_nd

    return functools.partial(
        pl.kernel, mesh=mesh, out_type=tuple(out_type),
        scratch_types=scratch,
        compiler_params=pltpu.CompilerParams(use_tc_tiling_on_sc=False))(fn)


def _proj2_body(x_ref, wla_ref, wlb_ref, wr_ref, b_ref, p_ref, q_ref):
    x = x_ref[...]
    p_ref[0] = jnp.dot(x, wla_ref[...], preferred_element_type=jnp.float32)
    p_ref[1] = jnp.dot(x, wlb_ref[...], preferred_element_type=jnp.float32)
    q_ref[...] = (jnp.dot(x, wr_ref[...], preferred_element_type=jnp.float32)
                  + b_ref[...])


def _combine_proj2_body(aggp_ref, degp_ref, q_ref, wla_ref, wlb_ref, wr_ref,
                        b_ref, p2_ref, q2_ref):
    n = q_ref.shape[0]
    agg = jnp.concatenate([aggp_ref[0, :n, :], aggp_ref[1, :n, :]], axis=1)
    deg = degp_ref[0, :n, 0:1] + degp_ref[1, :n, 0:1]
    h = jnp.maximum(agg / jnp.maximum(deg, 1.0) + q_ref[...], 0.0)
    p2_ref[0] = jnp.dot(h, wla_ref[...], preferred_element_type=jnp.float32)
    p2_ref[1] = jnp.dot(h, wlb_ref[...], preferred_element_type=jnp.float32)
    q2_ref[...] = (jnp.dot(h, wr_ref[...], preferred_element_type=jnp.float32)
                   + b_ref[...])


def _combine_final_body(aggp_ref, degp_ref, q_ref, w3_ref, b3_ref,
                        h_ref, out_ref):
    n = q_ref.shape[0]
    agg = jnp.concatenate([aggp_ref[0, :n, :], aggp_ref[1, :n, :]], axis=1)
    deg = degp_ref[0, :n, 0:1] + degp_ref[1, :n, 0:1]
    h = jnp.maximum(agg / jnp.maximum(deg, 1.0) + q_ref[...], 0.0)
    h_ref[...] = h
    out_ref[...] = (jnp.dot(h, w3_ref[...], preferred_element_type=jnp.float32)
                    + b3_ref[...])


def kernel(x, edge_index, W_l1, W_r1, b1, W_l2, W_r2, b2, W3, b3):
    n, d = x.shape
    h_dim = W_l1.shape[1]
    dh = h_dim // 2
    o_dim = W3.shape[1]
    e = edge_index.shape[1]

    n_chunks = -(-e // (_NS * _CHUNK))
    n_chunks += n_chunks % 2
    e_pad = n_chunks * _CHUNK * _NS
    n_pad = -(-(n + 1) // (_NS * 8)) * (_NS * 8)

    src = jnp.concatenate(
        [edge_index[0], jnp.zeros((e_pad - e,), jnp.int32)])
    dst = jnp.concatenate(
        [edge_index[1], jnp.full((e_pad - e,), n, jnp.int32)])
    src = src.reshape(_NS, n_chunks, _CHUNK)
    src2 = jnp.stack([src, src + n])
    dst = dst.reshape(_NS, n_chunks, _CHUNK)

    z_row = jnp.zeros((n_pad, dh), jnp.float32)
    z_deg = jnp.zeros((n_pad, 16), jnp.float32)
    ones = jnp.ones((_CHUNK, 16), jnp.float32)

    segsum_d = _make_sc_segsum(n_pad, n_chunks, dh, True)
    segsum = _make_sc_segsum(n_pad, n_chunks, dh, False)

    b1r = b1.reshape(1, h_dim)
    b2r = b2.reshape(1, h_dim)
    w3p = jnp.zeros((h_dim, h_dim), jnp.float32).at[:, :o_dim].set(W3)
    b3p = jnp.zeros((1, h_dim), jnp.float32).at[0, :o_dim].set(b3)

    f32 = jnp.float32
    p1, q1 = pl.pallas_call(
        _proj2_body,
        out_shape=(jax.ShapeDtypeStruct((_NC, n, dh), f32),
                   jax.ShapeDtypeStruct((n, h_dim), f32)),
    )(x, W_l1[:, :dh], W_l1[:, dh:], W_r1, b1r)

    agg1p, degp = segsum_d(
        p1.reshape(_NC * n, dh), src2, dst, z_row, z_deg, ones)

    p2, q2 = pl.pallas_call(
        _combine_proj2_body,
        out_shape=(jax.ShapeDtypeStruct((_NC, n, dh), f32),
                   jax.ShapeDtypeStruct((n, h_dim), f32)),
    )(agg1p, degp, q1, W_l2[:, :dh], W_l2[:, dh:], W_r2, b2r)

    (agg2p,) = segsum(p2.reshape(_NC * n, dh), src2, dst, z_row)

    h2, out_p = pl.pallas_call(
        _combine_final_body,
        out_shape=(jax.ShapeDtypeStruct((n, h_dim), f32),
                   jax.ShapeDtypeStruct((n, h_dim), f32)),
    )(agg2p, degp, q2, w3p, b3p)

    return out_p[:, :o_dim], h2

# --- scband reference (transcript-rebuilt; emitter-appended) ---
"""Pipeline reference for scband-graph-sage-51187420234379 (READ-ONLY COPY).

The authoritative reference and input builder live on the scoring server;
editing this copy changes nothing except your own understanding.
"""

import jax, jax.numpy as jnp
import numpy as np

N = 10000
E = 320000
D = 128
H = 128
O = 2


def setup_inputs(seed: int = 0) -> dict:
    key = jax.random.key(seed)
    ks = jax.random.split(key, 12)
    x = jax.random.normal(ks[0], (N, D), dtype=jnp.float32)
    edge_index = jax.random.randint(ks[1], (2, E), 0, N, dtype=jnp.int32)
    s1 = 1.0 / np.sqrt(D)
    s2 = 1.0 / np.sqrt(H)
    W_l1 = jax.random.uniform(ks[2], (D, H), jnp.float32, -s1, s1)
    W_r1 = jax.random.uniform(ks[3], (D, H), jnp.float32, -s1, s1)
    b1 = jax.random.uniform(ks[4], (H,), jnp.float32, -s1, s1)
    W_l2 = jax.random.uniform(ks[5], (H, H), jnp.float32, -s2, s2)
    W_r2 = jax.random.uniform(ks[6], (H, H), jnp.float32, -s2, s2)
    b2 = jax.random.uniform(ks[7], (H,), jnp.float32, -s2, s2)
    W3 = jax.random.uniform(ks[8], (H, O), jnp.float32, -s2, s2)
    b3 = jax.random.uniform(ks[9], (O,), jnp.float32, -s2, s2)
    return {"x": x, "edge_index": edge_index, "W_l1": W_l1, "W_r1": W_r1, "b1": b1,
            "W_l2": W_l2, "W_r2": W_r2, "b2": b2, "W3": W3, "b3": b3}


def sage_conv(x, edge_index, W_l, W_r, b):
    src = edge_index[0]
    dst = edge_index[1]
    msg = jnp.take(x, src, axis=0)
    agg = jax.ops.segment_sum(msg, dst, num_segments=N)
    deg = jax.ops.segment_sum(jnp.ones((E,), dtype=x.dtype), dst, num_segments=N)
    agg = agg / jnp.maximum(deg, 1.0)[:, None]
    return agg @ W_l + x @ W_r + b


def reference(x, edge_index, W_l1, W_r1, b1, W_l2, W_r2, b2, W3, b3):
    # layer 1 (in -> hidden), relu; dropout is identity in eval mode
    h = jax.nn.relu(sage_conv(x, edge_index, W_l1, W_r1, b1))
    # layer 2 (hidden -> hidden), relu
    h = jax.nn.relu(sage_conv(h, edge_index, W_l2, W_r2, b2))
    out = h @ W3 + b3
    return (out, h)

if __name__ == "__main__":
    import jax
    _d = setup_inputs()
    print(jax.jit(kernel)(*tuple(_d.values())))

</pallas_src>

<mosaic_0001>
#map = affine_map<(d0, d1) -> (0, 0)>
#map1 = affine_map<(d0, d1) -> (0, 0, 0, 0)>
#map2 = affine_map<(d0, d1) -> (0, 0, 0)>
module attributes {stable_mosaic.version = 14 : i64} {
  func.func @body_wd(%arg0: i32, %arg1: i32, %arg2: memref<20000x64xf32, #tpu.memory_space<hbm>>, %arg3: memref<2x16x158x128xi32, #tpu.memory_space<hbm>>, %arg4: memref<16x158x128xi32, #tpu.memory_space<hbm>>, %arg5: memref<10112x64xf32, #tpu.memory_space<hbm>>, %arg6: memref<10112x16xf32, #tpu.memory_space<hbm>>, %arg7: memref<128x16xf32, #tpu.memory_space<hbm>>, %arg8: memref<2x10112x64xf32, #tpu.memory_space<hbm>>, %arg9: memref<2x10112x16xf32, #tpu.memory_space<hbm>>, %arg10: memref<158x128xi32, #tpu.memory_space<vmem>>, %arg11: memref<158x128xi32, #tpu.memory_space<vmem>>, %arg12: memref<128x64xf32, #tpu.memory_space<vmem>>, %arg13: memref<128x64xf32, #tpu.memory_space<vmem>>, %arg14: memref<10112x64xf32, #tpu.memory_space<vmem_shared>>, %arg15: memref<!tpu.dma_semaphore, #tpu.memory_space<semaphore_mem>>, %arg16: memref<!tpu.dma_semaphore, #tpu.memory_space<semaphore_mem>>, %arg17: memref<128x16xf32, #tpu.memory_space<vmem>>, %arg18: memref<10112x16xf32, #tpu.memory_space<vmem_shared>>) attributes {dimension_semantics = [#tpu.dimension_semantics<core_parallel>, #tpu.dimension_semantics<subcore_parallel>], iteration_bounds = array<i64: 2, 16>, scalar_prefetch = 0 : i64, scratch_operands = 9 : i64, tpu.core_type = #tpu.core_type<sc_vector_subcore>, window_params = [{transform_indices = #map}, {transform_indices = #map1}, {transform_indices = #map2}, {transform_indices = #map}, {transform_indices = #map}, {transform_indices = #map}, {transform_indices = #map2}, {transform_indices = #map2}]} {
    %mul3A = arith.constant 632 : i32
    %mul3A_0 = arith.muli %arg1, %mul3A : i32
    "tpu.region"() ({
      %run_scoped3A = tpu.sem_alloc : memref<!tpu.dma_semaphore, #tpu.memory_space<semaphore_mem>>
      %dma_start3A_13 = arith.constant 0 : i32
      %dma_start3A_14 = tpu.memref_slice %arg14[%mul3A_0, %dma_start3A_13] : memref<10112x64xf32, #tpu.memory_space<vmem_shared>> -> memref<632x64xf32, #tpu.memory_space<vmem_shared>>
      %dma_start3A_15 = arith.constant 0 : i32
      %dma_start3A_16 = tpu.memref_slice %arg5[%mul3A_0, %dma_start3A_15] : memref<10112x64xf32, #tpu.memory_space<hbm>> -> memref<632x64xf32, #tpu.memory_space<hbm>>
      tpu.enqueue_dma source(%dma_start3A_16 : memref<632x64xf32, #tpu.memory_space<hbm>>) target(%dma_start3A_14 : memref<632x64xf32, #tpu.memory_space<vmem_shared>>) target_semaphore(%run_scoped3A : memref<!tpu.dma_semaphore, #tpu.memory_space<semaphore_mem>>)
      %dma_wait3A = arith.constant 0 : i32
      %dma_wait3A_17 = tpu.memref_slice %arg14[%mul3A_0, %dma_wait3A] : memref<10112x64xf32, #tpu.memory_space<vmem_shared>> -> memref<632x64xf32, #tpu.memory_space<vmem_shared>>
      %dma_wait3A_18 = arith.constant 0 : i32
      %dma_wait3A_19 = tpu.memref_slice %arg5[%mul3A_0, %dma_wait3A_18] : memref<10112x64xf32, #tpu.memory_space<hbm>> -> memref<632x64xf32, #tpu.memory_space<hbm>>
      tpu.wait_dma2 semaphore(%run_scoped3A : memref<!tpu.dma_semaphore, #tpu.memory_space<semaphore_mem>>) src(%dma_wait3A_19 : memref<632x64xf32, #tpu.memory_space<hbm>>) dst(%dma_wait3A_17 : memref<632x64xf32, #tpu.memory_space<vmem_shared>>)
      tpu.yield
    }) : () -> ()
    "tpu.region"() ({
      %run_scoped3A = tpu.sem_alloc : memref<!tpu.dma_semaphore, #tpu.memory_space<semaphore_mem>>
      %dma_start3A_13 = arith.constant 0 : i32
      %dma_start3A_14 = tpu.memref_slice %arg18[%mul3A_0, %dma_start3A_13] : memref<10112x16xf32, #tpu.memory_space<vmem_shared>> -> memref<632x16xf32, #tpu.memory_space<vmem_shared>>
      %dma_start3A_15 = arith.constant 0 : i32
      %dma_start3A_16 = tpu.memref_slice %arg6[%mul3A_0, %dma_start3A_15] : memref<10112x16xf32, #tpu.memory_space<hbm>> -> memref<632x16xf32, #tpu.memory_space<hbm>>
      tpu.enqueue_dma source(%dma_start3A_16 : memref<632x16xf32, #tpu.memory_space<hbm>>) target(%dma_start3A_14 : memref<632x16xf32, #tpu.memory_space<vmem_shared>>) target_semaphore(%run_scoped3A : memref<!tpu.dma_semaphore, #tpu.memory_space<semaphore_mem>>)
      %dma_wait3A = arith.constant 0 : i32
      %dma_wait3A_17 = tpu.memref_slice %arg18[%mul3A_0, %dma_wait3A] : memref<10112x16xf32, #tpu.memory_space<vmem_shared>> -> memref<632x16xf32, #tpu.memory_space<vmem_shared>>
      %dma_wait3A_18 = arith.constant 0 : i32
      %dma_wait3A_19 = tpu.memref_slice %arg6[%mul3A_0, %dma_wait3A_18] : memref<10112x16xf32, #tpu.memory_space<hbm>> -> memref<632x16xf32, #tpu.memory_space<hbm>>
      tpu.wait_dma2 semaphore(%run_scoped3A : memref<!tpu.dma_semaphore, #tpu.memory_space<semaphore_mem>>) src(%dma_wait3A_19 : memref<632x16xf32, #tpu.memory_space<hbm>>) dst(%dma_wait3A_17 : memref<632x16xf32, #tpu.memory_space<vmem_shared>>)
      tpu.yield
    }) : () -> ()
    "tpu.region"() ({
      %run_scoped3A = tpu.sem_alloc : memref<!tpu.dma_semaphore, #tpu.memory_space<semaphore_mem>>
      tpu.enqueue_dma source(%arg7 : memref<128x16xf32, #tpu.memory_space<hbm>>) target(%arg17 : memref<128x16xf32, #tpu.memory_space<vmem>>) target_semaphore(%run_scoped3A : memref<!tpu.dma_semaphore, #tpu.memory_space<semaphore_mem>>)
      tpu.wait_dma2 semaphore(%run_scoped3A : memref<!tpu.dma_semaphore, #tpu.memory_space<semaphore_mem>>) src(%arg7 : memref<128x16xf32, #tpu.memory_space<hbm>>) dst(%arg17 : memref<128x16xf32, #tpu.memory_space<vmem>>)
      tpu.yield
    }) : () -> ()
    "tpu.region"() ({
      %run_scoped3A = tpu.sem_alloc : memref<!tpu.dma_semaphore, #tpu.memory_space<semaphore_mem>>
      %dma_start3A_13 = arith.constant 0 : i32
      %dma_start3A_14 = arith.constant 0 : i32
      %dma_start3A_15 = tpu.memref_slice %arg3[%arg0, %arg1, %dma_start3A_13, %dma_start3A_14] : memref<2x16x158x128xi32, #tpu.memory_space<hbm>> -> memref<1x1x158x128xi32, #tpu.memory_space<hbm>>
      %dma_start3A_16 = tpu.memref_squeeze %dma_start3A_15 : memref<1x1x158x128xi32, #tpu.memory_space<hbm>> -> memref<158x128xi32, #tpu.memory_space<hbm>>
      %dma_start3A_17 = arith.constant 0 : i32
      %dma_start3A_18 = arith.constant 0 : i32
      %dma_start3A_19 = tpu.memref_slice %arg3[%arg0, %arg1, %dma_start3A_17, %dma_start3A_18] : memref<2x16x158x128xi32, #tpu.memory_space<hbm>> -> memref<1x1x158x128xi32, #tpu.memory_space<hbm>>
      %dma_start3A_20 = tpu.memref_squeeze %dma_start3A_19 : memref<1x1x158x128xi32, #tpu.memory_space<hbm>> -> memref<158x128xi32, #tpu.memory_space<hbm>>
      tpu.enqueue_dma source(%dma_start3A_20 : memref<158x128xi32, #tpu.memory_space<hbm>>) target(%arg10 : memref<158x128xi32, #tpu.memory_space<vmem>>) target_semaphore(%run_scoped3A : memref<!tpu.dma_semaphore, #tpu.memory_space<semaphore_mem>>)
      %dma_wait3A = arith.constant 0 : i32
      %dma_wait3A_21 = arith.constant 0 : i32
      %dma_wait3A_22 = tpu.memref_slice %arg3[%arg0, %arg1, %dma_wait3A, %dma_wait3A_21] : memref<2x16x158x128xi32, #tpu.memory_space<hbm>> -> memref<1x1x158x128xi32, #tpu.memory_space<hbm>>
      %dma_wait3A_23 = tpu.memref_squeeze %dma_wait3A_22 : memref<1x1x158x128xi32, #tpu.memory_space<hbm>> -> memref<158x128xi32, #tpu.memory_space<hbm>>
      %dma_wait3A_24 = arith.constant 0 : i32
      %dma_wait3A_25 = arith.constant 0 : i32
      %dma_wait3A_26 = tpu.memref_slice %arg3[%arg0, %arg1, %dma_wait3A_24, %dma_wait3A_25] : memref<2x16x158x128xi32, #tpu.memory_space<hbm>> -> memref<1x1x158x128xi32, #tpu.memory_space<hbm>>
      %dma_wait3A_27 = tpu.memref_squeeze %dma_wait3A_26 : memref<1x1x158x128xi32, #tpu.memory_space<hbm>> -> memref<158x128xi32, #tpu.memory_space<hbm>>
      tpu.wait_dma2 semaphore(%run_scoped3A : memref<!tpu.dma_semaphore, #tpu.memory_space<semaphore_mem>>) src(%dma_wait3A_27 : memref<158x128xi32, #tpu.memory_space<hbm>>) dst(%arg10 : memref<158x128xi32, #tpu.memory_space<vmem>>)
      tpu.yield
    }) : () -> ()
    "tpu.region"() ({
      %run_scoped3A = tpu.sem_alloc : memref<!tpu.dma_semaphore, #tpu.memory_space<semaphore_mem>>
      %dma_start3A_13 = arith.constant 0 : i32
      %dma_start3A_14 = arith.constant 0 : i32
      %dma_start3A_15 = tpu.memref_slice %arg4[%arg1, %dma_start3A_13, %dma_start3A_14] : memref<16x158x128xi32, #tpu.memory_space<hbm>> -> memref<1x158x128xi32, #tpu.memory_space<hbm>>
      %dma_start3A_16 = tpu.memref_squeeze %dma_start3A_15 : memref<1x158x128xi32, #tpu.memory_space<hbm>> -> memref<158x128xi32, #tpu.memory_space<hbm>>
      %dma_start3A_17 = arith.constant 0 : i32
      %dma_start3A_18 = arith.constant 0 : i32
      %dma_start3A_19 = tpu.memref_slice %arg4[%arg1, %dma_start3A_17, %dma_start3A_18] : memref<16x158x128xi32, #tpu.memory_space<hbm>> -> memref<1x158x128xi32, #tpu.memory_space<hbm>>
      %dma_start3A_20 = tpu.memref_squeeze %dma_start3A_19 : memref<1x158x128xi32, #tpu.memory_space<hbm>> -> memref<158x128xi32, #tpu.memory_space<hbm>>
      tpu.enqueue_dma source(%dma_start3A_20 : memref<158x128xi32, #tpu.memory_space<hbm>>) target(%arg11 : memref<158x128xi32, #tpu.memory_space<vmem>>) target_semaphore(%run_scoped3A : memref<!tpu.dma_semaphore, #tpu.memory_space<semaphore_mem>>)
      %dma_wait3A = arith.constant 0 : i32
      %dma_wait3A_21 = arith.constant 0 : i32
      %dma_wait3A_22 = tpu.memref_slice %arg4[%arg1, %dma_wait3A, %dma_wait3A_21] : memref<16x158x128xi32, #tpu.memory_space<hbm>> -> memref<1x158x128xi32, #tpu.memory_space<hbm>>
      %dma_wait3A_23 = tpu.memref_squeeze %dma_wait3A_22 : memref<1x158x128xi32, #tpu.memory_space<hbm>> -> memref<158x128xi32, #tpu.memory_space<hbm>>
      %dma_wait3A_24 = arith.constant 0 : i32
      %dma_wait3A_25 = arith.constant 0 : i32
      %dma_wait3A_26 = tpu.memref_slice %arg4[%arg1, %dma_wait3A_24, %dma_wait3A_25] : memref<16x158x128xi32, #tpu.memory_space<hbm>> -> memref<1x158x128xi32, #tpu.memory_space<hbm>>
      %dma_wait3A_27 = tpu.memref_squeeze %dma_wait3A_26 : memref<1x158x128xi32, #tpu.memory_space<hbm>> -> memref<158x128xi32, #tpu.memory_space<hbm>>
      tpu.wait_dma2 semaphore(%run_scoped3A : memref<!tpu.dma_semaphore, #tpu.memory_space<semaphore_mem>>) src(%dma_wait3A_27 : memref<158x128xi32, #tpu.memory_space<hbm>>) dst(%arg11 : memref<158x128xi32, #tpu.memory_space<vmem>>)
      tpu.yield
    }) : () -> ()
    %dma_start3A = arith.constant 0 : i32
    %dma_start3A_1 = arith.constant 0 : i32
    %dma_start3A_2 = tpu.memref_slice %arg10[%dma_start3A, %dma_start3A_1] : memref<158x128xi32, #tpu.memory_space<vmem>> -> memref<1x128xi32, #tpu.memory_space<vmem>>
    %dma_start3A_3 = tpu.memref_squeeze %dma_start3A_2 : memref<1x128xi32, #tpu.memory_space<vmem>> -> memref<128xi32, #tpu.memory_space<vmem>>
    %dma_start3A_4 = arith.constant 0 : i32
    %dma_start3A_5 = arith.constant 0 : i32
    %dma_start3A_6 = tpu.memref_slice %arg2[%dma_start3A_4, %dma_start3A_5] : memref<20000x64xf32, #tpu.memory_space<hbm>> -> memref<20000x64xf32, #tpu.memory_space<hbm>>
    tpu.enqueue_indirect_dma source(%dma_start3A_6 : memref<20000x64xf32, #tpu.memory_space<hbm>>) target(%arg12 : memref<128x64xf32, #tpu.memory_space<vmem>>) offsets(%dma_start3A_3 : memref<128xi32, #tpu.memory_space<vmem>>) semaphore(%arg15 : memref<!tpu.dma_semaphore, #tpu.memory_space<semaphore_mem>>)
    %barrier3A = arith.constant 0 : index
    tpu.barrier barrier_id(%barrier3A)
    %scan3A = arith.constant 0 : i32
    %scan3A_7 = arith.constant 0 : i32
    %scan3A_8 = arith.constant 79 : i32
    %scan3A_9 = arith.addi %scan3A_7, %scan3A_8 : i32
    %scan3A_10 = arith.constant 1 : i32
    scf.for %scan3A_13 = %scan3A_7 to %scan3A_9 step %scan3A_10  : i32 {
      %mul3A_14 = arith.constant 2 : i32
      %mul3A_15 = arith.muli %mul3A_14, %scan3A_13 : i32
      %add3A = arith.constant 1 : i32
      %add3A_16 = arith.addi %mul3A_15, %add3A : i32
      %dma_start3A_17 = arith.constant 0 : i32
      %dma_start3A_18 = tpu.memref_slice %arg10[%add3A_16, %dma_start3A_17] : memref<158x128xi32, #tpu.memory_space<vmem>> -> memref<1x128xi32, #tpu.memory_space<vmem>>
      %dma_start3A_19 = tpu.memref_squeeze %dma_start3A_18 : memref<1x128xi32, #tpu.memory_space<vmem>> -> memref<128xi32, #tpu.memory_space<vmem>>
      %dma_start3A_20 = arith.constant 0 : i32
      %dma_start3A_21 = arith.constant 0 : i32
      %dma_start3A_22 = tpu.memref_slice %arg2[%dma_start3A_20, %dma_start3A_21] : memref<20000x64xf32, #tpu.memory_space<hbm>> -> memref<20000x64xf32, #tpu.memory_space<hbm>>
      tpu.enqueue_indirect_dma source(%dma_start3A_22 : memref<20000x64xf32, #tpu.memory_space<hbm>>) target(%arg13 : memref<128x64xf32, #tpu.memory_space<vmem>>) offsets(%dma_start3A_19 : memref<128xi32, #tpu.memory_space<vmem>>) semaphore(%arg16 : memref<!tpu.dma_semaphore, #tpu.memory_space<semaphore_mem>>)
      %dma_wait3A = arith.constant 0 : i32
      %dma_wait3A_23 = tpu.memref_slice %arg10[%mul3A_15, %dma_wait3A] : memref<158x128xi32, #tpu.memory_space<vmem>> -> memref<1x128xi32, #tpu.memory_space<vmem>>
      %dma_wait3A_24 = tpu.memref_squeeze %dma_wait3A_23 : memref<1x128xi32, #tpu.memory_space<vmem>> -> memref<128xi32, #tpu.memory_space<vmem>>
      %dma_wait3A_25 = arith.constant 0 : i32
      %dma_wait3A_26 = arith.constant 0 : i32
      %dma_wait3A_27 = tpu.memref_slice %arg2[%dma_wait3A_25, %dma_wait3A_26] : memref<20000x64xf32, #tpu.memory_space<hbm>> -> memref<20000x64xf32, #tpu.memory_space<hbm>>
      tpu.wait_indirect_dma semaphore(%arg15 : memref<!tpu.dma_semaphore, #tpu.memory_space<semaphore_mem>>) src(%dma_wait3A_27 : memref<20000x64xf32, #tpu.memory_space<hbm>>) dst(%arg12 : memref<128x64xf32, #tpu.memory_space<vmem>>)
      "tpu.region"() ({
        %run_scoped3A = tpu.sem_alloc : memref<!tpu.dma_semaphore, #tpu.memory_space<semaphore_mem>>
        %dma_start3A_48 = arith.constant 0 : i32
        %dma_start3A_49 = tpu.memref_slice %arg11[%mul3A_15, %dma_start3A_48] : memref<158x128xi32, #tpu.memory_space<vmem>> -> memref<1x128xi32, #tpu.memory_space<vmem>>
        %dma_start3A_50 = tpu.memref_squeeze %dma_start3A_49 : memref<1x128xi32, #tpu.memory_space<vmem>> -> memref<128xi32, #tpu.memory_space<vmem>>
        %dma_start3A_51 = arith.constant 0 : i32
        %dma_start3A_52 = arith.constant 0 : i32
        %dma_start3A_53 = tpu.memref_slice %arg14[%dma_start3A_51, %dma_start3A_52] : memref<10112x64xf32, #tpu.memory_space<vmem_shared>> -> memref<10112x64xf32, #tpu.memory_space<vmem_shared>>
        tpu.enqueue_indirect_dma source(%arg12 : memref<128x64xf32, #tpu.memory_space<vmem>>) target(%dma_start3A_53 : memref<10112x64xf32, #tpu.memory_space<vmem_shared>>) offsets(%dma_start3A_50 : memref<128xi32, #tpu.memory_space<vmem>>) semaphore(%run_scoped3A : memref<!tpu.dma_semaphore, #tpu.memory_space<semaphore_mem>>) {add = true}
        %dma_wait3A_54 = arith.constant 0 : i32
        %dma_wait3A_55 = tpu.memref_slice %arg11[%mul3A_15, %dma_wait3A_54] : memref<158x128xi32, #tpu.memory_space<vmem>> -> memref<1x128xi32, #tpu.memory_space<vmem>>
        %dma_wait3A_56 = tpu.memref_squeeze %dma_wait3A_55 : memref<1x128xi32, #tpu.memory_space<vmem>> -> memref<128xi32, #tpu.memory_space<vmem>>
        %dma_wait3A_57 = arith.constant 0 : i32
        %dma_wait3A_58 = arith.constant 0 : i32
        %dma_wait3A_59 = tpu.memref_slice %arg14[%dma_wait3A_57, %dma_wait3A_58] : memref<10112x64xf32, #tpu.memory_space<vmem_shared>> -> memref<10112x64xf32, #tpu.memory_space<vmem_shared>>
        tpu.wait_indirect_dma semaphore(%run_scoped3A : memref<!tpu.dma_semaphore, #tpu.memory_space<semaphore_mem>>) src(%arg12 : memref<128x64xf32, #tpu.memory_space<vmem>>) dst(%dma_wait3A_59 : memref<10112x64xf32, #tpu.memory_space<vmem_shared>>)
        tpu.yield
      }) : () -> ()
      %lt3A = arith.constant 78 : i32
      %lt3A_28 = arith.cmpi slt, %scan3A_13, %lt3A : i32
      %convert_element_type3A = arith.extui %lt3A_28 : i1 to i32
      %cond3A = arith.constant 0 : i32
      %cond3A_29 = arith.cmpi ne, %convert_element_type3A, %cond3A : i32
      scf.if %cond3A_29 {
        %add3A_48 = arith.constant 2 : i32
        %add3A_49 = arith.addi %mul3A_15, %add3A_48 : i32
        %dma_start3A_50 = arith.constant 0 : i32
        %dma_start3A_51 = tpu.memref_slice %arg10[%add3A_49, %dma_start3A_50] : memref<158x128xi32, #tpu.memory_space<vmem>> -> memref<1x128xi32, #tpu.memory_space<vmem>>
        %dma_start3A_52 = tpu.memref_squeeze %dma_start3A_51 : memref<1x128xi32, #tpu.memory_space<vmem>> -> memref<128xi32, #tpu.memory_space<vmem>>
        %dma_start3A_53 = arith.constant 0 : i32
        %dma_start3A_54 = arith.constant 0 : i32
        %dma_start3A_55 = tpu.memref_slice %arg2[%dma_start3A_53, %dma_start3A_54] : memref<20000x64xf32, #tpu.memory_space<hbm>> -> memref<20000x64xf32, #tpu.memory_space<hbm>>
        tpu.enqueue_indirect_dma source(%dma_start3A_55 : memref<20000x64xf32, #tpu.memory_space<hbm>>) target(%arg12 : memref<128x64xf32, #tpu.memory_space<vmem>>) offsets(%dma_start3A_52 : memref<128xi32, #tpu.memory_space<vmem>>) semaphore(%arg15 : memref<!tpu.dma_semaphore, #tpu.memory_space<semaphore_mem>>)
      } else {
      }
      %eq3A = arith.constant 0 : i32
      %eq3A_30 = arith.cmpi eq, %arg0, %eq3A : i32
      %convert_element_type3A_31 = arith.extui %eq3A_30 : i1 to i32
      %cond3A_32 = arith.constant 0 : i32
      %cond3A_33 = arith.cmpi ne, %convert_element_type3A_31, %cond3A_32 : i32
      scf.if %cond3A_33 {
        "tpu.region"() ({
          %run_scoped3A = tpu.sem_alloc : memref<!tpu.dma_semaphore, #tpu.memory_space<semaphore_mem>>
          %dma_start3A_48 = arith.constant 0 : i32
          %dma_start3A_49 = tpu.memref_slice %arg11[%mul3A_15, %dma_start3A_48] : memref<158x128xi32, #tpu.memory_space<vmem>> -> memref<1x128xi32, #tpu.memory_space<vmem>>
          %dma_start3A_50 = tpu.memref_squeeze %dma_start3A_49 : memref<1x128xi32, #tpu.memory_space<vmem>> -> memref<128xi32, #tpu.memory_space<vmem>>
          %dma_start3A_51 = arith.constant 0 : i32
          %dma_start3A_52 = arith.constant 0 : i32
          %dma_start3A_53 = tpu.memref_slice %arg18[%dma_start3A_51, %dma_start3A_52] : memref<10112x16xf32, #tpu.memory_space<vmem_shared>> -> memref<10112x16xf32, #tpu.memory_space<vmem_shared>>
          tpu.enqueue_indirect_dma source(%arg17 : memref<128x16xf32, #tpu.memory_space<vmem>>) target(%dma_start3A_53 : memref<10112x16xf32, #tpu.memory_space<vmem_shared>>) offsets(%dma_start3A_50 : memref<128xi32, #tpu.memory_space<vmem>>) semaphore(%run_scoped3A : memref<!tpu.dma_semaphore, #tpu.memory_space<semaphore_mem>>) {add = true}
          %dma_wait3A_54 = arith.constant 0 : i32
          %dma_wait3A_55 = tpu.memref_slice %arg11[%mul3A_15, %dma_wait3A_54] : memref<158x128xi32, #tpu.memory_space<vmem>> -> memref<1x128xi32, #tpu.memory_space<vmem>>
          %dma_wait3A_56 = tpu.memref_squeeze %dma_wait3A_55 : memref<1x128xi32, #tpu.memory_space<vmem>> -> memref<128xi32, #tpu.memory_space<vmem>>
          %dma_wait3A_57 = arith.constant 0 : i32
          %dma_wait3A_58 = arith.constant 0 : i32
          %dma_wait3A_59 = tpu.memref_slice %arg18[%dma_wait3A_57, %dma_wait3A_58] : memref<10112x16xf32, #tpu.memory_space<vmem_shared>> -> memref<10112x16xf32, #tpu.memory_space<vmem_shared>>
          tpu.wait_indirect_dma semaphore(%run_scoped3A : memref<!tpu.dma_semaphore, #tpu.memory_space<semaphore_mem>>) src(%arg17 : memref<128x16xf32, #tpu.memory_space<vmem>>) dst(%dma_wait3A_59 : memref<10112x16xf32, #tpu.memory_space<vmem_shared>>)
          tpu.yield
        }) : () -> ()
      } else {
      }
      %add3A_34 = arith.constant 1 : i32
      %add3A_35 = arith.addi %mul3A_15, %add3A_34 : i32
      %dma_wait3A_36 = arith.constant 0 : i32
      %dma_wait3A_37 = tpu.memref_slice %arg10[%add3A_35, %dma_wait3A_36] : memref<158x128xi32, #tpu.memory_space<vmem>> -> memref<1x128xi32, #tpu.memory_space<vmem>>
      %dma_wait3A_38 = tpu.memref_squeeze %dma_wait3A_37 : memref<1x128xi32, #tpu.memory_space<vmem>> -> memref<128xi32, #tpu.memory_space<vmem>>
      %dma_wait3A_39 = arith.constant 0 : i32
      %dma_wait3A_40 = arith.constant 0 : i32
      %dma_wait3A_41 = tpu.memref_slice %arg2[%dma_wait3A_39, %dma_wait3A_40] : memref<20000x64xf32, #tpu.memory_space<hbm>> -> memref<20000x64xf32, #tpu.memory_space<hbm>>
      tpu.wait_indirect_dma semaphore(%arg16 : memref<!tpu.dma_semaphore, #tpu.memory_space<semaphore_mem>>) src(%dma_wait3A_41 : memref<20000x64xf32, #tpu.memory_space<hbm>>) dst(%arg13 : memref<128x64xf32, #tpu.memory_space<vmem>>)
      %add3A_42 = arith.constant 1 : i32
      %add3A_43 = arith.addi %mul3A_15, %add3A_42 : i32
      "tpu.region"() ({
        %run_scoped3A = tpu.sem_alloc : memref<!tpu.dma_semaphore, #tpu.memory_space<semaphore_mem>>
        %dma_start3A_48 = arith.constant 0 : i32
        %dma_start3A_49 = tpu.memref_slice %arg11[%add3A_43, %dma_start3A_48] : memref<158x128xi32, #tpu.memory_space<vmem>> -> memref<1x128xi32, #tpu.memory_space<vmem>>
        %dma_start3A_50 = tpu.memref_squeeze %dma_start3A_49 : memref<1x128xi32, #tpu.memory_space<vmem>> -> memref<128xi32, #tpu.memory_space<vmem>>
        %dma_start3A_51 = arith.constant 0 : i32
        %dma_start3A_52 = arith.constant 0 : i32
        %dma_start3A_53 = tpu.memref_slice %arg14[%dma_start3A_51, %dma_start3A_52] : memref<10112x64xf32, #tpu.memory_space<vmem_shared>> -> memref<10112x64xf32, #tpu.memory_space<vmem_shared>>
        tpu.enqueue_indirect_dma source(%arg13 : memref<128x64xf32, #tpu.memory_space<vmem>>) target(%dma_start3A_53 : memref<10112x64xf32, #tpu.memory_space<vmem_shared>>) offsets(%dma_start3A_50 : memref<128xi32, #tpu.memory_space<vmem>>) semaphore(%run_scoped3A : memref<!tpu.dma_semaphore, #tpu.memory_space<semaphore_mem>>) {add = true}
        %dma_wait3A_54 = arith.constant 0 : i32
        %dma_wait3A_55 = tpu.memref_slice %arg11[%add3A_43, %dma_wait3A_54] : memref<158x128xi32, #tpu.memory_space<vmem>> -> memref<1x128xi32, #tpu.memory_space<vmem>>
        %dma_wait3A_56 = tpu.memref_squeeze %dma_wait3A_55 : memref<1x128xi32, #tpu.memory_space<vmem>> -> memref<128xi32, #tpu.memory_space<vmem>>
        %dma_wait3A_57 = arith.constant 0 : i32
        %dma_wait3A_58 = arith.constant 0 : i32
        %dma_wait3A_59 = tpu.memref_slice %arg14[%dma_wait3A_57, %dma_wait3A_58] : memref<10112x64xf32, #tpu.memory_space<vmem_shared>> -> memref<10112x64xf32, #tpu.memory_space<vmem_shared>>
        tpu.wait_indirect_dma semaphore(%run_scoped3A : memref<!tpu.dma_semaphore, #tpu.memory_space<semaphore_mem>>) src(%arg13 : memref<128x64xf32, #tpu.memory_space<vmem>>) dst(%dma_wait3A_59 : memref<10112x64xf32, #tpu.memory_space<vmem_shared>>)
        tpu.yield
      }) : () -> ()
      %ne3A = arith.constant 0 : i32
      %ne3A_44 = arith.cmpi ne, %arg0, %ne3A : i32
      %convert_element_type3A_45 = arith.extui %ne3A_44 : i1 to i32
      %cond3A_46 = arith.constant 0 : i32
      %cond3A_47 = arith.cmpi ne, %convert_element_type3A_45, %cond3A_46 : i32
      scf.if %cond3A_47 {
        %add3A_48 = arith.constant 1 : i32
        %add3A_49 = arith.addi %mul3A_15, %add3A_48 : i32
        "tpu.region"() ({
          %run_scoped3A = tpu.sem_alloc : memref<!tpu.dma_semaphore, #tpu.memory_space<semaphore_mem>>
          %dma_start3A_50 = arith.constant 0 : i32
          %dma_start3A_51 = tpu.memref_slice %arg11[%add3A_49, %dma_start3A_50] : memref<158x128xi32, #tpu.memory_space<vmem>> -> memref<1x128xi32, #tpu.memory_space<vmem>>
          %dma_start3A_52 = tpu.memref_squeeze %dma_start3A_51 : memref<1x128xi32, #tpu.memory_space<vmem>> -> memref<128xi32, #tpu.memory_space<vmem>>
          %dma_start3A_53 = arith.constant 0 : i32
          %dma_start3A_54 = arith.constant 0 : i32
          %dma_start3A_55 = tpu.memref_slice %arg18[%dma_start3A_53, %dma_start3A_54] : memref<10112x16xf32, #tpu.memory_space<vmem_shared>> -> memref<10112x16xf32, #tpu.memory_space<vmem_shared>>
          tpu.enqueue_indirect_dma source(%arg17 : memref<128x16xf32, #tpu.memory_space<vmem>>) target(%dma_start3A_55 : memref<10112x16xf32, #tpu.memory_space<vmem_shared>>) offsets(%dma_start3A_52 : memref<128xi32, #tpu.memory_space<vmem>>) semaphore(%run_scoped3A : memref<!tpu.dma_semaphore, #tpu.memory_space<semaphore_mem>>) {add = true}
          %dma_wait3A_56 = arith.constant 0 : i32
          %dma_wait3A_57 = tpu.memref_slice %arg11[%add3A_49, %dma_wait3A_56] : memref<158x128xi32, #tpu.memory_space<vmem>> -> memref<1x128xi32, #tpu.memory_space<vmem>>
          %dma_wait3A_58 = tpu.memref_squeeze %dma_wait3A_57 : memref<1x128xi32, #tpu.memory_space<vmem>> -> memref<128xi32, #tpu.memory_space<vmem>>
          %dma_wait3A_59 = arith.constant 0 : i32
          %dma_wait3A_60 = arith.constant 0 : i32
          %dma_wait3A_61 = tpu.memref_slice %arg18[%dma_wait3A_59, %dma_wait3A_60] : memref<10112x16xf32, #tpu.memory_space<vmem_shared>> -> memref<10112x16xf32, #tpu.memory_space<vmem_shared>>
          tpu.wait_indirect_dma semaphore(%run_scoped3A : memref<!tpu.dma_semaphore, #tpu.memory_space<semaphore_mem>>) src(%arg17 : memref<128x16xf32, #tpu.memory_space<vmem>>) dst(%dma_wait3A_61 : memref<10112x16xf32, #tpu.memory_space<vmem_shared>>)
          tpu.yield
        }) : () -> ()
      } else {
      }
    }
    %scan3A_11 = arith.constant 79 : i32
    %barrier3A_12 = arith.constant 0 : index
    tpu.barrier barrier_id(%barrier3A_12)
    "tpu.region"() ({
      %run_scoped3A = tpu.sem_alloc : memref<!tpu.dma_semaphore, #tpu.memory_space<semaphore_mem>>
      %dma_start3A_13 = arith.constant 0 : i32
      %dma_start3A_14 = tpu.memref_slice %arg8[%arg0, %mul3A_0, %dma_start3A_13] : memref<2x10112x64xf32, #tpu.memory_space<hbm>> -> memref<1x632x64xf32, #tpu.memory_space<hbm>>
      %dma_start3A_15 = tpu.memref_squeeze %dma_start3A_14 : memref<1x632x64xf32, #tpu.memory_space<hbm>> -> memref<632x64xf32, #tpu.memory_space<hbm>>
      %dma_start3A_16 = arith.constant 0 : i32
      %dma_start3A_17 = tpu.memref_slice %arg14[%mul3A_0, %dma_start3A_16] : memref<10112x64xf32, #tpu.memory_space<vmem_shared>> -> memref<632x64xf32, #tpu.memory_space<vmem_shared>>
      tpu.enqueue_dma source(%dma_start3A_17 : memref<632x64xf32, #tpu.memory_space<vmem_shared>>) target(%dma_start3A_15 : memref<632x64xf32, #tpu.memory_space<hbm>>) target_semaphore(%run_scoped3A : memref<!tpu.dma_semaphore, #tpu.memory_space<semaphore_mem>>)
      %dma_wait3A = arith.constant 0 : i32
      %dma_wait3A_18 = tpu.memref_slice %arg8[%arg0, %mul3A_0, %dma_wait3A] : memref<2x10112x64xf32, #tpu.memory_space<hbm>> -> memref<1x632x64xf32, #tpu.memory_space<hbm>>
      %dma_wait3A_19 = tpu.memref_squeeze %dma_wait3A_18 : memref<1x632x64xf32, #tpu.memory_space<hbm>> -> memref<632x64xf32, #tpu.memory_space<hbm>>
      %dma_wait3A_20 = arith.constant 0 : i32
      %dma_wait3A_21 = tpu.memref_slice %arg14[%mul3A_0, %dma_wait3A_20] : memref<10112x64xf32, #tpu.memory_space<vmem_shared>> -> memref<632x64xf32, #tpu.memory_space<vmem_shared>>
      tpu.wait_dma2 semaphore(%run_scoped3A : memref<!tpu.dma_semaphore, #tpu.memory_space<semaphore_mem>>) src(%dma_wait3A_21 : memref<632x64xf32, #tpu.memory_space<vmem_shared>>) dst(%dma_wait3A_19 : memref<632x64xf32, #tpu.memory_space<hbm>>)
      tpu.yield
    }) : () -> ()
    "tpu.region"() ({
      %run_scoped3A = tpu.sem_alloc : memref<!tpu.dma_semaphore, #tpu.memory_space<semaphore_mem>>
      %dma_start3A_13 = arith.constant 0 : i32
      %dma_start3A_14 = tpu.memref_slice %arg9[%arg0, %mul3A_0, %dma_start3A_13] : memref<2x10112x16xf32, #tpu.memory_space<hbm>> -> memref<1x632x16xf32, #tpu.memory_space<hbm>>
      %dma_start3A_15 = tpu.memref_squeeze %dma_start3A_14 : memref<1x632x16xf32, #tpu.memory_space<hbm>> -> memref<632x16xf32, #tpu.memory_space<hbm>>
      %dma_start3A_16 = arith.constant 0 : i32
      %dma_start3A_17 = tpu.memref_slice %arg18[%mul3A_0, %dma_start3A_16] : memref<10112x16xf32, #tpu.memory_space<vmem_shared>> -> memref<632x16xf32, #tpu.memory_space<vmem_shared>>
      tpu.enqueue_dma source(%dma_start3A_17 : memref<632x16xf32, #tpu.memory_space<vmem_shared>>) target(%dma_start3A_15 : memref<632x16xf32, #tpu.memory_space<hbm>>) target_semaphore(%run_scoped3A : memref<!tpu.dma_semaphore, #tpu.memory_space<semaphore_mem>>)
      %dma_wait3A = arith.constant 0 : i32
      %dma_wait3A_18 = tpu.memref_slice %arg9[%arg0, %mul3A_0, %dma_wait3A] : memref<2x10112x16xf32, #tpu.memory_space<hbm>> -> memref<1x632x16xf32, #tpu.memory_space<hbm>>
      %dma_wait3A_19 = tpu.memref_squeeze %dma_wait3A_18 : memref<1x632x16xf32, #tpu.memory_space<hbm>> -> memref<632x16xf32, #tpu.memory_space<hbm>>
      %dma_wait3A_20 = arith.constant 0 : i32
      %dma_wait3A_21 = tpu.memref_slice %arg18[%mul3A_0, %dma_wait3A_20] : memref<10112x16xf32, #tpu.memory_space<vmem_shared>> -> memref<632x16xf32, #tpu.memory_space<vmem_shared>>
      tpu.wait_dma2 semaphore(%run_scoped3A : memref<!tpu.dma_semaphore, #tpu.memory_space<semaphore_mem>>) src(%dma_wait3A_21 : memref<632x16xf32, #tpu.memory_space<vmem_shared>>) dst(%dma_wait3A_19 : memref<632x16xf32, #tpu.memory_space<hbm>>)
      tpu.yield
    }) : () -> ()
    return
  }
}

#map = affine_map<(d0, d1) -> (0, 0)>
#map1 = affine_map<(d0, d1) -> (0, 0, 0, 0)>
#map2 = affine_map<(d0, d1) -> (0, 0, 0)>
module attributes {stable_mosaic.version = 14 : i64} {
  func.func @body_nd(%arg0: i32, %arg1: i32, %arg2: memref<20000x64xf32, #tpu.memory_space<hbm>>, %arg3: memref<2x16x158x128xi32, #tpu.memory_space<hbm>>, %arg4: memref<16x158x128xi32, #tpu.memory_space<hbm>>, %arg5: memref<10112x64xf32, #tpu.memory_space<hbm>>, %arg6: memref<2x10112x64xf32, #tpu.memory_space<hbm>>, %arg7: memref<158x128xi32, #tpu.memory_space<vmem>>, %arg8: memref<158x128xi32, #tpu.memory_space<vmem>>, %arg9: memref<128x64xf32, #tpu.memory_space<vmem>>, %arg10: memref<128x64xf32, #tpu.memory_space<vmem>>, %arg11: memref<10112x64xf32, #tpu.memory_space<vmem_shared>>, %arg12: memref<!tpu.dma_semaphore, #tpu.memory_space<semaphore_mem>>, %arg13: memref<!tpu.dma_semaphore, #tpu.memory_space<semaphore_mem>>) attributes {dimension_semantics = [#tpu.dimension_semantics<core_parallel>, #tpu.dimension_semantics<subcore_parallel>], iteration_bounds = array<i64: 2, 16>, scalar_prefetch = 0 : i64, scratch_operands = 7 : i64, tpu.core_type = #tpu.core_type<sc_vector_subcore>, window_params = [{transform_indices = #map}, {transform_indices = #map1}, {transform_indices = #map2}, {transform_indices = #map}, {transform_indices = #map2}]} {
    %mul3A = arith.constant 632 : i32
    %mul3A_0 = arith.muli %arg1, %mul3A : i32
    "tpu.region"() ({
      %run_scoped3A = tpu.sem_alloc : memref<!tpu.dma_semaphore, #tpu.memory_space<semaphore_mem>>
      %dma_start3A_13 = arith.constant 0 : i32
      %dma_start3A_14 = tpu.memref_slice %arg11[%mul3A_0, %dma_start3A_13] : memref<10112x64xf32, #tpu.memory_space<vmem_shared>> -> memref<632x64xf32, #tpu.memory_space<vmem_shared>>
      %dma_start3A_15 = arith.constant 0 : i32
      %dma_start3A_16 = tpu.memref_slice %arg5[%mul3A_0, %dma_start3A_15] : memref<10112x64xf32, #tpu.memory_space<hbm>> -> memref<632x64xf32, #tpu.memory_space<hbm>>
      tpu.enqueue_dma source(%dma_start3A_16 : memref<632x64xf32, #tpu.memory_space<hbm>>) target(%dma_start3A_14 : memref<632x64xf32, #tpu.memory_space<vmem_shared>>) target_semaphore(%run_scoped3A : memref<!tpu.dma_semaphore, #tpu.memory_space<semaphore_mem>>)
      %dma_wait3A = arith.constant 0 : i32
      %dma_wait3A_17 = tpu.memref_slice %arg11[%mul3A_0, %dma_wait3A] : memref<10112x64xf32, #tpu.memory_space<vmem_shared>> -> memref<632x64xf32, #tpu.memory_space<vmem_shared>>
      %dma_wait3A_18 = arith.constant 0 : i32
      %dma_wait3A_19 = tpu.memref_slice %arg5[%mul3A_0, %dma_wait3A_18] : memref<10112x64xf32, #tpu.memory_space<hbm>> -> memref<632x64xf32, #tpu.memory_space<hbm>>
      tpu.wait_dma2 semaphore(%run_scoped3A : memref<!tpu.dma_semaphore, #tpu.memory_space<semaphore_mem>>) src(%dma_wait3A_19 : memref<632x64xf32, #tpu.memory_space<hbm>>) dst(%dma_wait3A_17 : memref<632x64xf32, #tpu.memory_space<vmem_shared>>)
      tpu.yield
    }) : () -> ()
    "tpu.region"() ({
      %run_scoped3A = tpu.sem_alloc : memref<!tpu.dma_semaphore, #tpu.memory_space<semaphore_mem>>
      %dma_start3A_13 = arith.constant 0 : i32
      %dma_start3A_14 = arith.constant 0 : i32
      %dma_start3A_15 = tpu.memref_slice %arg3[%arg0, %arg1, %dma_start3A_13, %dma_start3A_14] : memref<2x16x158x128xi32, #tpu.memory_space<hbm>> -> memref<1x1x158x128xi32, #tpu.memory_space<hbm>>
      %dma_start3A_16 = tpu.memref_squeeze %dma_start3A_15 : memref<1x1x158x128xi32, #tpu.memory_space<hbm>> -> memref<158x128xi32, #tpu.memory_space<hbm>>
      %dma_start3A_17 = arith.constant 0 : i32
      %dma_start3A_18 = arith.constant 0 : i32
      %dma_start3A_19 = tpu.memref_slice %arg3[%arg0, %arg1, %dma_start3A_17, %dma_start3A_18] : memref<2x16x158x128xi32, #tpu.memory_space<hbm>> -> memref<1x1x158x128xi32, #tpu.memory_space<hbm>>
      %dma_start3A_20 = tpu.memref_squeeze %dma_start3A_19 : memref<1x1x158x128xi32, #tpu.memory_space<hbm>> -> memref<158x128xi32, #tpu.memory_space<hbm>>
      tpu.enqueue_dma source(%dma_start3A_20 : memref<158x128xi32, #tpu.memory_space<hbm>>) target(%arg7 : memref<158x128xi32, #tpu.memory_space<vmem>>) target_semaphore(%run_scoped3A : memref<!tpu.dma_semaphore, #tpu.memory_space<semaphore_mem>>)
      %dma_wait3A = arith.constant 0 : i32
      %dma_wait3A_21 = arith.constant 0 : i32
      %dma_wait3A_22 = tpu.memref_slice %arg3[%arg0, %arg1, %dma_wait3A, %dma_wait3A_21] : memref<2x16x158x128xi32, #tpu.memory_space<hbm>> -> memref<1x1x158x128xi32, #tpu.memory_space<hbm>>
      %dma_wait3A_23 = tpu.memref_squeeze %dma_wait3A_22 : memref<1x1x158x128xi32, #tpu.memory_space<hbm>> -> memref<158x128xi32, #tpu.memory_space<hbm>>
      %dma_wait3A_24 = arith.constant 0 : i32
      %dma_wait3A_25 = arith.constant 0 : i32
      %dma_wait3A_26 = tpu.memref_slice %arg3[%arg0, %arg1, %dma_wait3A_24, %dma_wait3A_25] : memref<2x16x158x128xi32, #tpu.memory_space<hbm>> -> memref<1x1x158x128xi32, #tpu.memory_space<hbm>>
      %dma_wait3A_27 = tpu.memref_squeeze %dma_wait3A_26 : memref<1x1x158x128xi32, #tpu.memory_space<hbm>> -> memref<158x128xi32, #tpu.memory_space<hbm>>
      tpu.wait_dma2 semaphore(%run_scoped3A : memref<!tpu.dma_semaphore, #tpu.memory_space<semaphore_mem>>) src(%dma_wait3A_27 : memref<158x128xi32, #tpu.memory_space<hbm>>) dst(%arg7 : memref<158x128xi32, #tpu.memory_space<vmem>>)
      tpu.yield
    }) : () -> ()
    "tpu.region"() ({
      %run_scoped3A = tpu.sem_alloc : memref<!tpu.dma_semaphore, #tpu.memory_space<semaphore_mem>>
      %dma_start3A_13 = arith.constant 0 : i32
      %dma_start3A_14 = arith.constant 0 : i32
      %dma_start3A_15 = tpu.memref_slice %arg4[%arg1, %dma_start3A_13, %dma_start3A_14] : memref<16x158x128xi32, #tpu.memory_space<hbm>> -> memref<1x158x128xi32, #tpu.memory_space<hbm>>
      %dma_start3A_16 = tpu.memref_squeeze %dma_start3A_15 : memref<1x158x128xi32, #tpu.memory_space<hbm>> -> memref<158x128xi32, #tpu.memory_space<hbm>>
      %dma_start3A_17 = arith.constant 0 : i32
      %dma_start3A_18 = arith.constant 0 : i32
      %dma_start3A_19 = tpu.memref_slice %arg4[%arg1, %dma_start3A_17, %dma_start3A_18] : memref<16x158x128xi32, #tpu.memory_space<hbm>> -> memref<1x158x128xi32, #tpu.memory_space<hbm>>
      %dma_start3A_20 = tpu.memref_squeeze %dma_start3A_19 : memref<1x158x128xi32, #tpu.memory_space<hbm>> -> memref<158x128xi32, #tpu.memory_space<hbm>>
      tpu.enqueue_dma source(%dma_start3A_20 : memref<158x128xi32, #tpu.memory_space<hbm>>) target(%arg8 : memref<158x128xi32, #tpu.memory_space<vmem>>) target_semaphore(%run_scoped3A : memref<!tpu.dma_semaphore, #tpu.memory_space<semaphore_mem>>)
      %dma_wait3A = arith.constant 0 : i32
      %dma_wait3A_21 = arith.constant 0 : i32
      %dma_wait3A_22 = tpu.memref_slice %arg4[%arg1, %dma_wait3A, %dma_wait3A_21] : memref<16x158x128xi32, #tpu.memory_space<hbm>> -> memref<1x158x128xi32, #tpu.memory_space<hbm>>
      %dma_wait3A_23 = tpu.memref_squeeze %dma_wait3A_22 : memref<1x158x128xi32, #tpu.memory_space<hbm>> -> memref<158x128xi32, #tpu.memory_space<hbm>>
      %dma_wait3A_24 = arith.constant 0 : i32
      %dma_wait3A_25 = arith.constant 0 : i32
      %dma_wait3A_26 = tpu.memref_slice %arg4[%arg1, %dma_wait3A_24, %dma_wait3A_25] : memref<16x158x128xi32, #tpu.memory_space<hbm>> -> memref<1x158x128xi32, #tpu.memory_space<hbm>>
      %dma_wait3A_27 = tpu.memref_squeeze %dma_wait3A_26 : memref<1x158x128xi32, #tpu.memory_space<hbm>> -> memref<158x128xi32, #tpu.memory_space<hbm>>
      tpu.wait_dma2 semaphore(%run_scoped3A : memref<!tpu.dma_semaphore, #tpu.memory_space<semaphore_mem>>) src(%dma_wait3A_27 : memref<158x128xi32, #tpu.memory_space<hbm>>) dst(%arg8 : memref<158x128xi32, #tpu.memory_space<vmem>>)
      tpu.yield
    }) : () -> ()
    %dma_start3A = arith.constant 0 : i32
    %dma_start3A_1 = arith.constant 0 : i32
    %dma_start3A_2 = tpu.memref_slice %arg7[%dma_start3A, %dma_start3A_1] : memref<158x128xi32, #tpu.memory_space<vmem>> -> memref<1x128xi32, #tpu.memory_space<vmem>>
    %dma_start3A_3 = tpu.memref_squeeze %dma_start3A_2 : memref<1x128xi32, #tpu.memory_space<vmem>> -> memref<128xi32, #tpu.memory_space<vmem>>
    %dma_start3A_4 = arith.constant 0 : i32
    %dma_start3A_5 = arith.constant 0 : i32
    %dma_start3A_6 = tpu.memref_slice %arg2[%dma_start3A_4, %dma_start3A_5] : memref<20000x64xf32, #tpu.memory_space<hbm>> -> memref<20000x64xf32, #tpu.memory_space<hbm>>
    tpu.enqueue_indirect_dma source(%dma_start3A_6 : memref<20000x64xf32, #tpu.memory_space<hbm>>) target(%arg9 : memref<128x64xf32, #tpu.memory_space<vmem>>) offsets(%dma_start3A_3 : memref<128xi32, #tpu.memory_space<vmem>>) semaphore(%arg12 : memref<!tpu.dma_semaphore, #tpu.memory_space<semaphore_mem>>)
    %barrier3A = arith.constant 0 : index
    tpu.barrier barrier_id(%barrier3A)
    %scan3A = arith.constant 0 : i32
    %scan3A_7 = arith.constant 0 : i32
    %scan3A_8 = arith.constant 79 : i32
    %scan3A_9 = arith.addi %scan3A_7, %scan3A_8 : i32
    %scan3A_10 = arith.constant 1 : i32
    scf.for %scan3A_13 = %scan3A_7 to %scan3A_9 step %scan3A_10  : i32 {
      %mul3A_14 = arith.constant 2 : i32
      %mul3A_15 = arith.muli %mul3A_14, %scan3A_13 : i32
      %add3A = arith.constant 1 : i32
      %add3A_16 = arith.addi %mul3A_15, %add3A : i32
      %dma_start3A_17 = arith.constant 0 : i32
      %dma_start3A_18 = tpu.memref_slice %arg7[%add3A_16, %dma_start3A_17] : memref<158x128xi32, #tpu.memory_space<vmem>> -> memref<1x128xi32, #tpu.memory_space<vmem>>
      %dma_start3A_19 = tpu.memref_squeeze %dma_start3A_18 : memref<1x128xi32, #tpu.memory_space<vmem>> -> memref<128xi32, #tpu.memory_space<vmem>>
      %dma_start3A_20 = arith.constant 0 : i32
      %dma_start3A_21 = arith.constant 0 : i32
      %dma_start3A_22 = tpu.memref_slice %arg2[%dma_start3A_20, %dma_start3A_21] : memref<20000x64xf32, #tpu.memory_space<hbm>> -> memref<20000x64xf32, #tpu.memory_space<hbm>>
      tpu.enqueue_indirect_dma source(%dma_start3A_22 : memref<20000x64xf32, #tpu.memory_space<hbm>>) target(%arg10 : memref<128x64xf32, #tpu.memory_space<vmem>>) offsets(%dma_start3A_19 : memref<128xi32, #tpu.memory_space<vmem>>) semaphore(%arg13 : memref<!tpu.dma_semaphore, #tpu.memory_space<semaphore_mem>>)
      %dma_wait3A = arith.constant 0 : i32
      %dma_wait3A_23 = tpu.memref_slice %arg7[%mul3A_15, %dma_wait3A] : memref<158x128xi32, #tpu.memory_space<vmem>> -> memref<1x128xi32, #tpu.memory_space<vmem>>
      %dma_wait3A_24 = tpu.memref_squeeze %dma_wait3A_23 : memref<1x128xi32, #tpu.memory_space<vmem>> -> memref<128xi32, #tpu.memory_space<vmem>>
      %dma_wait3A_25 = arith.constant 0 : i32
      %dma_wait3A_26 = arith.constant 0 : i32
      %dma_wait3A_27 = tpu.memref_slice %arg2[%dma_wait3A_25, %dma_wait3A_26] : memref<20000x64xf32, #tpu.memory_space<hbm>> -> memref<20000x64xf32, #tpu.memory_space<hbm>>
      tpu.wait_indirect_dma semaphore(%arg12 : memref<!tpu.dma_semaphore, #tpu.memory_space<semaphore_mem>>) src(%dma_wait3A_27 : memref<20000x64xf32, #tpu.memory_space<hbm>>) dst(%arg9 : memref<128x64xf32, #tpu.memory_space<vmem>>)
      "tpu.region"() ({
        %run_scoped3A = tpu.sem_alloc : memref<!tpu.dma_semaphore, #tpu.memory_space<semaphore_mem>>
        %dma_start3A_40 = arith.constant 0 : i32
        %dma_start3A_41 = tpu.memref_slice %arg8[%mul3A_15, %dma_start3A_40] : memref<158x128xi32, #tpu.memory_space<vmem>> -> memref<1x128xi32, #tpu.memory_space<vmem>>
        %dma_start3A_42 = tpu.memref_squeeze %dma_start3A_41 : memref<1x128xi32, #tpu.memory_space<vmem>> -> memref<128xi32, #tpu.memory_space<vmem>>
        %dma_start3A_43 = arith.constant 0 : i32
        %dma_start3A_44 = arith.constant 0 : i32
        %dma_start3A_45 = tpu.memref_slice %arg11[%dma_start3A_43, %dma_start3A_44] : memref<10112x64xf32, #tpu.memory_space<vmem_shared>> -> memref<10112x64xf32, #tpu.memory_space<vmem_shared>>
        tpu.enqueue_indirect_dma source(%arg9 : memref<128x64xf32, #tpu.memory_space<vmem>>) target(%dma_start3A_45 : memref<10112x64xf32, #tpu.memory_space<vmem_shared>>) offsets(%dma_start3A_42 : memref<128xi32, #tpu.memory_space<vmem>>) semaphore(%run_scoped3A : memref<!tpu.dma_semaphore, #tpu.memory_space<semaphore_mem>>) {add = true}
        %dma_wait3A_46 = arith.constant 0 : i32
        %dma_wait3A_47 = tpu.memref_slice %arg8[%mul3A_15, %dma_wait3A_46] : memref<158x128xi32, #tpu.memory_space<vmem>> -> memref<1x128xi32, #tpu.memory_space<vmem>>
        %dma_wait3A_48 = tpu.memref_squeeze %dma_wait3A_47 : memref<1x128xi32, #tpu.memory_space<vmem>> -> memref<128xi32, #tpu.memory_space<vmem>>
        %dma_wait3A_49 = arith.constant 0 : i32
        %dma_wait3A_50 = arith.constant 0 : i32
        %dma_wait3A_51 = tpu.memref_slice %arg11[%dma_wait3A_49, %dma_wait3A_50] : memref<10112x64xf32, #tpu.memory_space<vmem_shared>> -> memref<10112x64xf32, #tpu.memory_space<vmem_shared>>
        tpu.wait_indirect_dma semaphore(%run_scoped3A : memref<!tpu.dma_semaphore, #tpu.memory_space<semaphore_mem>>) src(%arg9 : memref<128x64xf32, #tpu.memory_space<vmem>>) dst(%dma_wait3A_51 : memref<10112x64xf32, #tpu.memory_space<vmem_shared>>)
        tpu.yield
      }) : () -> ()
      %lt3A = arith.constant 78 : i32
      %lt3A_28 = arith.cmpi slt, %scan3A_13, %lt3A : i32
      %convert_element_type3A = arith.extui %lt3A_28 : i1 to i32
      %cond3A = arith.constant 0 : i32
      %cond3A_29 = arith.cmpi ne, %convert_element_type3A, %cond3A : i32
      scf.if %cond3A_29 {
        %add3A_40 = arith.constant 2 : i32
        %add3A_41 = arith.addi %mul3A_15, %add3A_40 : i32
        %dma_start3A_42 = arith.constant 0 : i32
        %dma_start3A_43 = tpu.memref_slice %arg7[%add3A_41, %dma_start3A_42] : memref<158x128xi32, #tpu.memory_space<vmem>> -> memref<1x128xi32, #tpu.memory_space<vmem>>
        %dma_start3A_44 = tpu.memref_squeeze %dma_start3A_43 : memref<1x128xi32, #tpu.memory_space<vmem>> -> memref<128xi32, #tpu.memory_space<vmem>>
        %dma_start3A_45 = arith.constant 0 : i32
        %dma_start3A_46 = arith.constant 0 : i32
        %dma_start3A_47 = tpu.memref_slice %arg2[%dma_start3A_45, %dma_start3A_46] : memref<20000x64xf32, #tpu.memory_space<hbm>> -> memref<20000x64xf32, #tpu.memory_space<hbm>>
        tpu.enqueue_indirect_dma source(%dma_start3A_47 : memref<20000x64xf32, #tpu.memory_space<hbm>>) target(%arg9 : memref<128x64xf32, #tpu.memory_space<vmem>>) offsets(%dma_start3A_44 : memref<128xi32, #tpu.memory_space<vmem>>) semaphore(%arg12 : memref<!tpu.dma_semaphore, #tpu.memory_space<semaphore_mem>>)
      } else {
      }
      %add3A_30 = arith.constant 1 : i32
      %add3A_31 = arith.addi %mul3A_15, %add3A_30 : i32
      %dma_wait3A_32 = arith.constant 0 : i32
      %dma_wait3A_33 = tpu.memref_slice %arg7[%add3A_31, %dma_wait3A_32] : memref<158x128xi32, #tpu.memory_space<vmem>> -> memref<1x128xi32, #tpu.memory_space<vmem>>
      %dma_wait3A_34 = tpu.memref_squeeze %dma_wait3A_33 : memref<1x128xi32, #tpu.memory_space<vmem>> -> memref<128xi32, #tpu.memory_space<vmem>>
      %dma_wait3A_35 = arith.constant 0 : i32
      %dma_wait3A_36 = arith.constant 0 : i32
      %dma_wait3A_37 = tpu.memref_slice %arg2[%dma_wait3A_35, %dma_wait3A_36] : memref<20000x64xf32, #tpu.memory_space<hbm>> -> memref<20000x64xf32, #tpu.memory_space<hbm>>
      tpu.wait_indirect_dma semaphore(%arg13 : memref<!tpu.dma_semaphore, #tpu.memory_space<semaphore_mem>>) src(%dma_wait3A_37 : memref<20000x64xf32, #tpu.memory_space<hbm>>) dst(%arg10 : memref<128x64xf32, #tpu.memory_space<vmem>>)
      %add3A_38 = arith.constant 1 : i32
      %add3A_39 = arith.addi %mul3A_15, %add3A_38 : i32
      "tpu.region"() ({
        %run_scoped3A = tpu.sem_alloc : memref<!tpu.dma_semaphore, #tpu.memory_space<semaphore_mem>>
        %dma_start3A_40 = arith.constant 0 : i32
        %dma_start3A_41 = tpu.memref_slice %arg8[%add3A_39, %dma_start3A_40] : memref<158x128xi32, #tpu.memory_space<vmem>> -> memref<1x128xi32, #tpu.memory_space<vmem>>
        %dma_start3A_42 = tpu.memref_squeeze %dma_start3A_41 : memref<1x128xi32, #tpu.memory_space<vmem>> -> memref<128xi32, #tpu.memory_space<vmem>>
        %dma_start3A_43 = arith.constant 0 : i32
        %dma_start3A_44 = arith.constant 0 : i32
        %dma_start3A_45 = tpu.memref_slice %arg11[%dma_start3A_43, %dma_start3A_44] : memref<10112x64xf32, #tpu.memory_space<vmem_shared>> -> memref<10112x64xf32, #tpu.memory_space<vmem_shared>>
        tpu.enqueue_indirect_dma source(%arg10 : memref<128x64xf32, #tpu.memory_space<vmem>>) target(%dma_start3A_45 : memref<10112x64xf32, #tpu.memory_space<vmem_shared>>) offsets(%dma_start3A_42 : memref<128xi32, #tpu.memory_space<vmem>>) semaphore(%run_scoped3A : memref<!tpu.dma_semaphore, #tpu.memory_space<semaphore_mem>>) {add = true}
        %dma_wait3A_46 = arith.constant 0 : i32
        %dma_wait3A_47 = tpu.memref_slice %arg8[%add3A_39, %dma_wait3A_46] : memref<158x128xi32, #tpu.memory_space<vmem>> -> memref<1x128xi32, #tpu.memory_space<vmem>>
        %dma_wait3A_48 = tpu.memref_squeeze %dma_wait3A_47 : memref<1x128xi32, #tpu.memory_space<vmem>> -> memref<128xi32, #tpu.memory_space<vmem>>
        %dma_wait3A_49 = arith.constant 0 : i32
        %dma_wait3A_50 = arith.constant 0 : i32
        %dma_wait3A_51 = tpu.memref_slice %arg11[%dma_wait3A_49, %dma_wait3A_50] : memref<10112x64xf32, #tpu.memory_space<vmem_shared>> -> memref<10112x64xf32, #tpu.memory_space<vmem_shared>>
        tpu.wait_indirect_dma semaphore(%run_scoped3A : memref<!tpu.dma_semaphore, #tpu.memory_space<semaphore_mem>>) src(%arg10 : memref<128x64xf32, #tpu.memory_space<vmem>>) dst(%dma_wait3A_51 : memref<10112x64xf32, #tpu.memory_space<vmem_shared>>)
        tpu.yield
      }) : () -> ()
    }
    %scan3A_11 = arith.constant 79 : i32
    %barrier3A_12 = arith.constant 0 : index
    tpu.barrier barrier_id(%barrier3A_12)
    "tpu.region"() ({
      %run_scoped3A = tpu.sem_alloc : memref<!tpu.dma_semaphore, #tpu.memory_space<semaphore_mem>>
      %dma_start3A_13 = arith.constant 0 : i32
      %dma_start3A_14 = tpu.memref_slice %arg6[%arg0, %mul3A_0, %dma_start3A_13] : memref<2x10112x64xf32, #tpu.memory_space<hbm>> -> memref<1x632x64xf32, #tpu.memory_space<hbm>>
      %dma_start3A_15 = tpu.memref_squeeze %dma_start3A_14 : memref<1x632x64xf32, #tpu.memory_space<hbm>> -> memref<632x64xf32, #tpu.memory_space<hbm>>
      %dma_start3A_16 = arith.constant 0 : i32
      %dma_start3A_17 = tpu.memref_slice %arg11[%mul3A_0, %dma_start3A_16] : memref<10112x64xf32, #tpu.memory_space<vmem_shared>> -> memref<632x64xf32, #tpu.memory_space<vmem_shared>>
      tpu.enqueue_dma source(%dma_start3A_17 : memref<632x64xf32, #tpu.memory_space<vmem_shared>>) target(%dma_start3A_15 : memref<632x64xf32, #tpu.memory_space<hbm>>) target_semaphore(%run_scoped3A : memref<!tpu.dma_semaphore, #tpu.memory_space<semaphore_mem>>)
      %dma_wait3A = arith.constant 0 : i32
      %dma_wait3A_18 = tpu.memref_slice %arg6[%arg0, %mul3A_0, %dma_wait3A] : memref<2x10112x64xf32, #tpu.memory_space<hbm>> -> memref<1x632x64xf32, #tpu.memory_space<hbm>>
      %dma_wait3A_19 = tpu.memref_squeeze %dma_wait3A_18 : memref<1x632x64xf32, #tpu.memory_space<hbm>> -> memref<632x64xf32, #tpu.memory_space<hbm>>
      %dma_wait3A_20 = arith.constant 0 : i32
      %dma_wait3A_21 = tpu.memref_slice %arg11[%mul3A_0, %dma_wait3A_20] : memref<10112x64xf32, #tpu.memory_space<vmem_shared>> -> memref<632x64xf32, #tpu.memory_space<vmem_shared>>
      tpu.wait_dma2 semaphore(%run_scoped3A : memref<!tpu.dma_semaphore, #tpu.memory_space<semaphore_mem>>) src(%dma_wait3A_21 : memref<632x64xf32, #tpu.memory_space<vmem_shared>>) dst(%dma_wait3A_19 : memref<632x64xf32, #tpu.memory_space<hbm>>)
      tpu.yield
    }) : () -> ()
    return
  }
}

module attributes {stable_mosaic.version = 14 : i64} {
  func.func @_proj2_body(%arg0: memref<10000x128xf32, #tpu.memory_space<vmem>>, %arg1: memref<128x64xf32, #tpu.memory_space<vmem>>, %arg2: memref<128x64xf32, #tpu.memory_space<vmem>>, %arg3: memref<128x128xf32, #tpu.memory_space<vmem>>, %arg4: memref<1x128xf32, #tpu.memory_space<vmem>>, %arg5: memref<2x10000x64xf32, #tpu.memory_space<vmem>>, %arg6: memref<10000x128xf32, #tpu.memory_space<vmem>>) attributes {dimension_semantics = [], scalar_prefetch = 0 : i64, scratch_operands = 0 : i64, tpu.core_type = #tpu.core_type<tc>} {
    %get3A = arith.constant 0 : index
    %get3A_0 = arith.constant 0 : index
    %get3A_1 = vector.load %arg0[%get3A, %get3A_0] : memref<10000x128xf32, #tpu.memory_space<vmem>>, vector<10000x128xf32>
    %get3A_2 = arith.constant 0 : index
    %get3A_3 = arith.constant 0 : index
    %get3A_4 = vector.load %arg1[%get3A_2, %get3A_3] : memref<128x64xf32, #tpu.memory_space<vmem>>, vector<128x64xf32>
    %dot_general3A = arith.constant dense<0.000000e+00> : vector<10000x64xf32>
    %dot_general3A_5 = tpu.matmul %get3A_1, %get3A_4, %dot_general3A {dimension_numbers = #tpu.dot_dimension_numbers<[1], [0], [0], [1], [0, 0, 1, 1], [], []>, transpose_lhs_hint = false} : vector<10000x128xf32>, vector<128x64xf32>, vector<10000x64xf32> -> vector<10000x64xf32>
    %swap3A = arith.constant 0 : index
    %swap3A_6 = arith.constant 0 : index
    %swap3A_7 = arith.constant 0 : index
    %swap3A_8 = vector.load %arg5[%swap3A, %swap3A_6, %swap3A_7] : memref<2x10000x64xf32, #tpu.memory_space<vmem>>, vector<1x10000x64xf32>
    %swap3A_9 = vector.shape_cast %swap3A_8 : vector<1x10000x64xf32> to vector<10000x64xf32>
    %swap3A_10 = vector.shape_cast %dot_general3A_5 : vector<10000x64xf32> to vector<1x10000x64xf32>
    tpu.vector_store %arg5[%swap3A, %swap3A_6, %swap3A_7], %swap3A_10 {strides = array<i32>} : memref<2x10000x64xf32, #tpu.memory_space<vmem>>, vector<1x10000x64xf32>,
    %get3A_11 = arith.constant 0 : index
    %get3A_12 = arith.constant 0 : index
    %get3A_13 = vector.load %arg2[%get3A_11, %get3A_12] : memref<128x64xf32, #tpu.memory_space<vmem>>, vector<128x64xf32>
    %dot_general3A_14 = arith.constant dense<0.000000e+00> : vector<10000x64xf32>
    %dot_general3A_15 = tpu.matmul %get3A_1, %get3A_13, %dot_general3A_14 {dimension_numbers = #tpu.dot_dimension_numbers<[1], [0], [0], [1], [0, 0, 1, 1], [], []>, transpose_lhs_hint = false} : vector<10000x128xf32>, vector<128x64xf32>, vector<10000x64xf32> -> vector<10000x64xf32>
    %swap3A_16 = arith.constant 1 : index
    %swap3A_17 = arith.constant 0 : index
    %swap3A_18 = arith.constant 0 : index
    %swap3A_19 = vector.load %arg5[%swap3A_16, %swap3A_17, %swap3A_18] : memref<2x10000x64xf32, #tpu.memory_space<vmem>>, vector<1x10000x64xf32>
    %swap3A_20 = vector.shape_cast %swap3A_19 : vector<1x10000x64xf32> to vector<10000x64xf32>
    %swap3A_21 = vector.shape_cast %dot_general3A_15 : vector<10000x64xf32> to vector<1x10000x64xf32>
    tpu.vector_store %arg5[%swap3A_16, %swap3A_17, %swap3A_18], %swap3A_21 {strides = array<i32>} : memref<2x10000x64xf32, #tpu.memory_space<vmem>>, vector<1x10000x64xf32>,
    %get3A_22 = arith.constant 0 : index
    %get3A_23 = arith.constant 0 : index
    %get3A_24 = vector.load %arg3[%get3A_22, %get3A_23] : memref<128x128xf32, #tpu.memory_space<vmem>>, vector<128x128xf32>
    %dot_general3A_25 = arith.constant dense<0.000000e+00> : vector<10000x128xf32>
    %dot_general3A_26 = tpu.matmul %get3A_1, %get3A_24, %dot_general3A_25 {dimension_numbers = #tpu.dot_dimension_numbers<[1], [0], [0], [1], [0, 0, 1, 1], [], []>, transpose_lhs_hint = false} : vector<10000x128xf32>, vector<128x128xf32>, vector<10000x128xf32> -> vector<10000x128xf32>
    %get3A_27 = arith.constant 0 : index
    %get3A_28 = arith.constant 0 : index
    %get3A_29 = vector.load %arg4[%get3A_27, %get3A_28] : memref<1x128xf32, #tpu.memory_space<vmem>>, vector<1x128xf32>
    %add3A = vector.broadcast %get3A_29 : vector<1x128xf32> to vector<10000x128xf32>
    %add3A_30 = arith.addf %dot_general3A_26, %add3A : vector<10000x128xf32>
    %swap3A_31 = arith.constant 0 : index
    %swap3A_32 = arith.constant 0 : index
    %swap3A_33 = vector.load %arg6[%swap3A_31, %swap3A_32] : memref<10000x128xf32, #tpu.memory_space<vmem>>, vector<10000x128xf32>
    tpu.vector_store %arg6[%swap3A_31, %swap3A_32], %add3A_30 {strides = array<i32>} : memref<10000x128xf32, #tpu.memory_space<vmem>>, vector<10000x128xf32>,
    return
  }
}

module attributes {stable_mosaic.version = 14 : i64} {
  func.func @_combine_proj2_body(%arg0: memref<2x10112x64xf32, #tpu.memory_space<vmem>>, %arg1: memref<2x10112x16xf32, #tpu.memory_space<vmem>>, %arg2: memref<10000x128xf32, #tpu.memory_space<vmem>>, %arg3: memref<128x64xf32, #tpu.memory_space<vmem>>, %arg4: memref<128x64xf32, #tpu.memory_space<vmem>>, %arg5: memref<128x128xf32, #tpu.memory_space<vmem>>, %arg6: memref<1x128xf32, #tpu.memory_space<vmem>>, %arg7: memref<2x10000x64xf32, #tpu.memory_space<vmem>>, %arg8: memref<10000x128xf32, #tpu.memory_space<vmem>>) attributes {dimension_semantics = [], scalar_prefetch = 0 : i64, scratch_operands = 0 : i64, tpu.core_type = #tpu.core_type<tc>} {
    %get3A = arith.constant 0 : index
    %get3A_0 = arith.constant 0 : index
    %get3A_1 = arith.constant 0 : index
    %get3A_2 = vector.load %arg0[%get3A, %get3A_0, %get3A_1] : memref<2x10112x64xf32, #tpu.memory_space<vmem>>, vector<1x10000x64xf32>
    %get3A_3 = vector.shape_cast %get3A_2 : vector<1x10000x64xf32> to vector<10000x64xf32>
    %get3A_4 = arith.constant 1 : index
    %get3A_5 = arith.constant 0 : index
    %get3A_6 = arith.constant 0 : index
    %get3A_7 = vector.load %arg0[%get3A_4, %get3A_5, %get3A_6] : memref<2x10112x64xf32, #tpu.memory_space<vmem>>, vector<1x10000x64xf32>
    %get3A_8 = vector.shape_cast %get3A_7 : vector<1x10000x64xf32> to vector<10000x64xf32>
    %concatenate3A = tpu.concatenate %get3A_3, %get3A_8 in 1 : vector<10000x64xf32>, vector<10000x64xf32> -> vector<10000x128xf32>
    %get3A_9 = arith.constant 0 : index
    %get3A_10 = arith.constant 0 : index
    %get3A_11 = arith.constant 0 : index
    %get3A_12 = vector.load %arg1[%get3A_9, %get3A_10, %get3A_11] : memref<2x10112x16xf32, #tpu.memory_space<vmem>>, vector<1x10000x1xf32>
    %get3A_13 = vector.shape_cast %get3A_12 : vector<1x10000x1xf32> to vector<10000x1xf32>
    %get3A_14 = arith.constant 1 : index
    %get3A_15 = arith.constant 0 : index
    %get3A_16 = arith.constant 0 : index
    %get3A_17 = vector.load %arg1[%get3A_14, %get3A_15, %get3A_16] : memref<2x10112x16xf32, #tpu.memory_space<vmem>>, vector<1x10000x1xf32>
    %get3A_18 = vector.shape_cast %get3A_17 : vector<1x10000x1xf32> to vector<10000x1xf32>
    %add3A = arith.addf %get3A_13, %get3A_18 : vector<10000x1xf32>
    %max3A = arith.constant 1.000000e+00 : f32
    %max3A_19 = vector.broadcast %max3A : f32 to vector<10000x1xf32>
    %max3A_20 = arith.maximumf %add3A, %max3A_19 : vector<10000x1xf32>
    %div3A = vector.broadcast %max3A_20 : vector<10000x1xf32> to vector<10000x128xf32>
    %div3A_21 = arith.divf %concatenate3A, %div3A : vector<10000x128xf32>
    %get3A_22 = arith.constant 0 : index
    %get3A_23 = arith.constant 0 : index
    %get3A_24 = vector.load %arg2[%get3A_22, %get3A_23] : memref<10000x128xf32, #tpu.memory_space<vmem>>, vector<10000x128xf32>
    %add3A_25 = arith.addf %div3A_21, %get3A_24 : vector<10000x128xf32>
    %max3A_26 = arith.constant 0.000000e+00 : f32
    %max3A_27 = vector.broadcast %max3A_26 : f32 to vector<10000x128xf32>
    %max3A_28 = arith.maximumf %add3A_25, %max3A_27 : vector<10000x128xf32>
    %get3A_29 = arith.constant 0 : index
    %get3A_30 = arith.constant 0 : index
    %get3A_31 = vector.load %arg3[%get3A_29, %get3A_30] : memref<128x64xf32, #tpu.memory_space<vmem>>, vector<128x64xf32>
    %dot_general3A = arith.constant dense<0.000000e+00> : vector<10000x64xf32>
    %dot_general3A_32 = tpu.matmul %max3A_28, %get3A_31, %dot_general3A {dimension_numbers = #tpu.dot_dimension_numbers<[1], [0], [0], [1], [0, 0, 1, 1], [], []>, transpose_lhs_hint = false} : vector<10000x128xf32>, vector<128x64xf32>, vector<10000x64xf32> -> vector<10000x64xf32>
    %swap3A = arith.constant 0 : index
    %swap3A_33 = arith.constant 0 : index
    %swap3A_34 = arith.constant 0 : index
    %swap3A_35 = vector.load %arg7[%swap3A, %swap3A_33, %swap3A_34] : memref<2x10000x64xf32, #tpu.memory_space<vmem>>, vector<1x10000x64xf32>
    %swap3A_36 = vector.shape_cast %swap3A_35 : vector<1x10000x64xf32> to vector<10000x64xf32>
    %swap3A_37 = vector.shape_cast %dot_general3A_32 : vector<10000x64xf32> to vector<1x10000x64xf32>
    tpu.vector_store %arg7[%swap3A, %swap3A_33, %swap3A_34], %swap3A_37 {strides = array<i32>} : memref<2x10000x64xf32, #tpu.memory_space<vmem>>, vector<1x10000x64xf32>,
    %get3A_38 = arith.constant 0 : index
    %get3A_39 = arith.constant 0 : index
    %get3A_40 = vector.load %arg4[%get3A_38, %get3A_39] : memref<128x64xf32, #tpu.memory_space<vmem>>, vector<128x64xf32>
    %dot_general3A_41 = arith.constant dense<0.000000e+00> : vector<10000x64xf32>
    %dot_general3A_42 = tpu.matmul %max3A_28, %get3A_40, %dot_general3A_41 {dimension_numbers = #tpu.dot_dimension_numbers<[1], [0], [0], [1], [0, 0, 1, 1], [], []>, transpose_lhs_hint = false} : vector<10000x128xf32>, vector<128x64xf32>, vector<10000x64xf32> -> vector<10000x64xf32>
    %swap3A_43 = arith.constant 1 : index
    %swap3A_44 = arith.constant 0 : index
    %swap3A_45 = arith.constant 0 : index
    %swap3A_46 = vector.load %arg7[%swap3A_43, %swap3A_44, %swap3A_45] : memref<2x10000x64xf32, #tpu.memory_space<vmem>>, vector<1x10000x64xf32>
    %swap3A_47 = vector.shape_cast %swap3A_46 : vector<1x10000x64xf32> to vector<10000x64xf32>
    %swap3A_48 = vector.shape_cast %dot_general3A_42 : vector<10000x64xf32> to vector<1x10000x64xf32>
    tpu.vector_store %arg7[%swap3A_43, %swap3A_44, %swap3A_45], %swap3A_48 {strides = array<i32>} : memref<2x10000x64xf32, #tpu.memory_space<vmem>>, vector<1x10000x64xf32>,
    %get3A_49 = arith.constant 0 : index
    %get3A_50 = arith.constant 0 : index
    %get3A_51 = vector.load %arg5[%get3A_49, %get3A_50] : memref<128x128xf32, #tpu.memory_space<vmem>>, vector<128x128xf32>
    %dot_general3A_52 = arith.constant dense<0.000000e+00> : vector<10000x128xf32>
    %dot_general3A_53 = tpu.matmul %max3A_28, %get3A_51, %dot_general3A_52 {dimension_numbers = #tpu.dot_dimension_numbers<[1], [0], [0], [1], [0, 0, 1, 1], [], []>, transpose_lhs_hint = false} : vector<10000x128xf32>, vector<128x128xf32>, vector<10000x128xf32> -> vector<10000x128xf32>
    %get3A_54 = arith.constant 0 : index
    %get3A_55 = arith.constant 0 : index
    %get3A_56 = vector.load %arg6[%get3A_54, %get3A_55] : memref<1x128xf32, #tpu.memory_space<vmem>>, vector<1x128xf32>
    %add3A_57 = vector.broadcast %get3A_56 : vector<1x128xf32> to vector<10000x128xf32>
    %add3A_58 = arith.addf %dot_general3A_53, %add3A_57 : vector<10000x128xf32>
    %swap3A_59 = arith.constant 0 : index
    %swap3A_60 = arith.constant 0 : index
    %swap3A_61 = vector.load %arg8[%swap3A_59, %swap3A_60] : memref<10000x128xf32, #tpu.memory_space<vmem>>, vector<10000x128xf32>
    tpu.vector_store %arg8[%swap3A_59, %swap3A_60], %add3A_58 {strides = array<i32>} : memref<10000x128xf32, #tpu.memory_space<vmem>>, vector<10000x128xf32>,
    return
  }
}

module attributes {stable_mosaic.version = 14 : i64} {
  func.func @_combine_final_body(%arg0: memref<2x10112x64xf32, #tpu.memory_space<vmem>>, %arg1: memref<2x10112x16xf32, #tpu.memory_space<vmem>>, %arg2: memref<10000x128xf32, #tpu.memory_space<vmem>>, %arg3: memref<128x128xf32, #tpu.memory_space<vmem>>, %arg4: memref<1x128xf32, #tpu.memory_space<vmem>>, %arg5: memref<10000x128xf32, #tpu.memory_space<vmem>>, %arg6: memref<10000x128xf32, #tpu.memory_space<vmem>>) attributes {dimension_semantics = [], scalar_prefetch = 0 : i64, scratch_operands = 0 : i64, tpu.core_type = #tpu.core_type<tc>} {
    %get3A = arith.constant 0 : index
    %get3A_0 = arith.constant 0 : index
    %get3A_1 = arith.constant 0 : index
    %get3A_2 = vector.load %arg0[%get3A, %get3A_0, %get3A_1] : memref<2x10112x64xf32, #tpu.memory_space<vmem>>, vector<1x10000x64xf32>
    %get3A_3 = vector.shape_cast %get3A_2 : vector<1x10000x64xf32> to vector<10000x64xf32>
    %get3A_4 = arith.constant 1 : index
    %get3A_5 = arith.constant 0 : index
    %get3A_6 = arith.constant 0 : index
    %get3A_7 = vector.load %arg0[%get3A_4, %get3A_5, %get3A_6] : memref<2x10112x64xf32, #tpu.memory_space<vmem>>, vector<1x10000x64xf32>
    %get3A_8 = vector.shape_cast %get3A_7 : vector<1x10000x64xf32> to vector<10000x64xf32>
    %concatenate3A = tpu.concatenate %get3A_3, %get3A_8 in 1 : vector<10000x64xf32>, vector<10000x64xf32> -> vector<10000x128xf32>
    %get3A_9 = arith.constant 0 : index
    %get3A_10 = arith.constant 0 : index
    %get3A_11 = arith.constant 0 : index
    %get3A_12 = vector.load %arg1[%get3A_9, %get3A_10, %get3A_11] : memref<2x10112x16xf32, #tpu.memory_space<vmem>>, vector<1x10000x1xf32>
    %get3A_13 = vector.shape_cast %get3A_12 : vector<1x10000x1xf32> to vector<10000x1xf32>
    %get3A_14 = arith.constant 1 : index
    %get3A_15 = arith.constant 0 : index
    %get3A_16 = arith.constant 0 : index
    %get3A_17 = vector.load %arg1[%get3A_14, %get3A_15, %get3A_16] : memref<2x10112x16xf32, #tpu.memory_space<vmem>>, vector<1x10000x1xf32>
    %get3A_18 = vector.shape_cast %get3A_17 : vector<1x10000x1xf32> to vector<10000x1xf32>
    %add3A = arith.addf %get3A_13, %get3A_18 : vector<10000x1xf32>
    %max3A = arith.constant 1.000000e+00 : f32
    %max3A_19 = vector.broadcast %max3A : f32 to vector<10000x1xf32>
    %max3A_20 = arith.maximumf %add3A, %max3A_19 : vector<10000x1xf32>
    %div3A = vector.broadcast %max3A_20 : vector<10000x1xf32> to vector<10000x128xf32>
    %div3A_21 = arith.divf %concatenate3A, %div3A : vector<10000x128xf32>
    %get3A_22 = arith.constant 0 : index
    %get3A_23 = arith.constant 0 : index
    %get3A_24 = vector.load %arg2[%get3A_22, %get3A_23] : memref<10000x128xf32, #tpu.memory_space<vmem>>, vector<10000x128xf32>
    %add3A_25 = arith.addf %div3A_21, %get3A_24 : vector<10000x128xf32>
    %max3A_26 = arith.constant 0.000000e+00 : f32
    %max3A_27 = vector.broadcast %max3A_26 : f32 to vector<10000x128xf32>
    %max3A_28 = arith.maximumf %add3A_25, %max3A_27 : vector<10000x128xf32>
    %swap3A = arith.constant 0 : index
    %swap3A_29 = arith.constant 0 : index
    %swap3A_30 = vector.load %arg5[%swap3A, %swap3A_29] : memref<10000x128xf32, #tpu.memory_space<vmem>>, vector<10000x128xf32>
    tpu.vector_store %arg5[%swap3A, %swap3A_29], %max3A_28 {strides = array<i32>} : memref<10000x128xf32, #tpu.memory_space<vmem>>, vector<10000x128xf32>,
    %get3A_31 = arith.constant 0 : index
    %get3A_32 = arith.constant 0 : index
    %get3A_33 = vector.load %arg3[%get3A_31, %get3A_32] : memref<128x128xf32, #tpu.memory_space<vmem>>, vector<128x128xf32>
    %dot_general3A = arith.constant dense<0.000000e+00> : vector<10000x128xf32>
    %dot_general3A_34 = tpu.matmul %max3A_28, %get3A_33, %dot_general3A {dimension_numbers = #tpu.dot_dimension_numbers<[1], [0], [0], [1], [0, 0, 1, 1], [], []>, transpose_lhs_hint = false} : vector<10000x128xf32>, vector<128x128xf32>, vector<10000x128xf32> -> vector<10000x128xf32>
    %get3A_35 = arith.constant 0 : index
    %get3A_36 = arith.constant 0 : index
    %get3A_37 = vector.load %arg4[%get3A_35, %get3A_36] : memref<1x128xf32, #tpu.memory_space<vmem>>, vector<1x128xf32>
    %add3A_38 = vector.broadcast %get3A_37 : vector<1x128xf32> to vector<10000x128xf32>
    %add3A_39 = arith.addf %dot_general3A_34, %add3A_38 : vector<10000x128xf32>
    %swap3A_40 = arith.constant 0 : index
    %swap3A_41 = arith.constant 0 : index
    %swap3A_42 = vector.load %arg6[%swap3A_40, %swap3A_41] : memref<10000x128xf32, #tpu.memory_space<vmem>>, vector<10000x128xf32>
    tpu.vector_store %arg6[%swap3A_40, %swap3A_41], %add3A_39 {strides = array<i32>} : memref<10000x128xf32, #tpu.memory_space<vmem>>, vector<10000x128xf32>,
    return
  }
}

</mosaic_0001>

<sc_bundles>
// kernel: kernel.10.cloned.1.call-start
scs
__scs_entry_jumppad:
0x0: {  	(pc) =	sbr.rel $0x88, $3  }
0x1: {  	(tag) =	ssettag $0x0;
	lr =	simm.s32 $0x1  }
0x2: {  	[smem:$0x3F97] =	sst lr;
	_ =	strace $0xD0000000  }
0x3: {  	_ = 	snop  }
0x4: {  	_ = 	snop  }
0x5: {  	_ = 	snop  }
0x6: {  	_ = 	snop  }
0x7: {  	_ = 	snop  }
__scs_overlays_trampoline_lowered:
0x8: {  	[smem:$0x3FA6] =	sst s0  }
0x9: {  	[smem:$0x3FA7] =	sst s1  }
0xa: {  	[smem:$0x3FA8] =	sst s2  }
0xb: {  	[smem:$0x3FA9] =	sst s3  }
0xc: {  	[smem:$0x3FAA] =	sst s4  }
0xd: {  	[smem:$0x3FAB] =	sst s5  }
0xe: {  	[smem:$0x3FAC] =	sst s6  }
0xf: {  	[smem:$0x3FAD] =	sst s7  }
0x10: {  	[smem:$0x3FAE] =	sst s8  }
0x11: {  	[smem:$0x3FAF] =	sst s9;
	s0 =	simm.s32 @!p0 $0x0  }
0x12: {  	s1 =	sld [smem:$0x3F95];
	s0 =	simm.s32 @p0 $0x1  }
0x13: {  	[smem:$0x3FB0] =	sst s0;
	s0 =	simm.s32 @!p1 $0x0  }
0x14: {  	s2 =	sld [smem:$0x3F94];
	s0 =	simm.s32 @p1 $0x1  }
0x15: {  	[smem:$0x3FB1] =	sst s0;
	s0 =	simm.s32 @!p2 $0x0  }
0x16: {  	s3 =	sld [smem:$0x3FDB];
	s0 =	simm.s32 @p2 $0x1  }
0x17: {  	s4 =	simm.s32 $0x1BF5;
	[smem:$0x3FB3] =	sst s0  }
0x18: {  	s0 =	sld [smem:$0x3F96];
	_ =	swait.ge [sflag:s4], $0x0  }
0x19: {  	s7 =	sld [smem:$0x3F97]  }
0x1a: {  	s8 =	sadd.s32 $0xFFFFE003, lr  }
0x1b: {  	s9 =	sadd.s32 $0xFFFFFEF7, lr;
	s5 =	simm.s32 $0xFFFFFFFF;
	p2 =	slt.u32 s8, $0xFFFFF086  }
0x1c: {  	p1 =	slt.u32 s9, $0xF7A;
	s5 =	simm.s32 @!p2 $0x0  }
0x1d: {  	s5 =	simm.s32 @p1 $0x1;
	p0 =	seq.s32 s7, s2  }
0x1e: {  	s7 =	smul.u32 @!p0 $0xF7A, s2;
	p2 =	seq.s32 @!p0 s5, $0x0  }
0x1f: {  	s9 =	smul.u32 $0xF7A, s1;
	s8 =	simm.s32 @!p0 $0x1BF5;
	p2 =	por !p2, p0  }
0x20: {  	[sflag:s8] =	ssyncset.s32 @!p0 $0xFFFFF086;
	s6 =	sadd.s32 @!p0 s3, s7;
	s7 =	simm.s32 @!p0 $0x108  }
0x21: {  	s3 =	sadd.s32 s3, s9;
	s6 =	sadd.s32 @!p0 $0x88, s6;
	s7 =	simm.s32 @p2 $0x1082  }
0x22: {  	[simem:s7], [sflag:s8] =	dma.local @!p0 [hbm:s6], $0xF7A  }
0x23: {  	s9 =	sor.u32 $0xD0000000, s2;
	s6 =	simm.s32 $0x108;
	_ =	swait.ge @!p0 [sflag:s8], $0x0  }
0x24: {  	s3 =	sadd.s32 $0x88, s3;
	s6 =	simm.s32 @!p1 $0x1082;
	[sflag:s4] =	ssyncset.s32 $0xFFFFF086  }
0x25: {  	[simem:s6], [sflag:s4] =	dma.local [hbm:s3], $0xF7A  }
0x26: {  	[smem:$0x3F97] =	sst s1;
	(tag) =	ssettag s2;
	_ =	strace s9  }
0x27: {  	s1 =	sld [smem:$0x3FA7]  }
0x28: {  	s2 =	sld [smem:$0x3FA8]  }
0x29: {  	s4 =	sld [smem:$0x3FAA]  }
0x2a: {  	p0 =	seq.s32 s5, $0x0;
	s5 =	sld [smem:$0x3FAB]  }
0x2b: {  	s6 =	sld [smem:$0x3FAC]  }
0x2c: {  	s7 =	sld [smem:$0x3FAD]  }
0x2d: {  	s3 =	simm.s32 $0x108;
	s8 =	sld [smem:$0x3FAE]  }
0x2e: {  	s3 =	simm.s32 @!p0 $0x1082;
	s9 =	sld [smem:$0x3FAF]  }
0x2f: {  	lr =	sadd.s32 s0, s3;
	s0 =	sld [smem:$0x3FA6]  }
0x30: {  	s3 =	sld [smem:$0x3FA9]  }
0x31: {  	[smem:$0x3FB2] =	sst s10  }
0x32: {  	s10 =	sld [smem:$0x3FB0];
	_ =	sdelay $0x3  }
0x33: {  	p0 =	seq.s32 s10, $0x1;
	s10 =	sld [smem:$0x3FB2];
	_ =	sdelay $0x3  }
0x34: {  	[smem:$0x3FB2] =	sst s10  }
0x35: {  	s10 =	sld [smem:$0x3FB1];
	_ =	sdelay $0x3  }
0x36: {  	p1 =	seq.s32 s10, $0x1;
	s10 =	sld [smem:$0x3FB2];
	_ =	sdelay $0x3  }
0x37: {  	[smem:$0x3FB2] =	sst s10  }
0x38: {  	s10 =	sld [smem:$0x3FB3]  }
0x39: {  	_ = 	snop;
	(pc) =	sbr.ind lr, $3  }
0x3a: {  	_ = 	snop  }
0x3b: {  	_ = 	snop  }
0x3c: {  	p2 =	seq.s32 s10, $0x1;
	s10 =	sld [smem:$0x3FB2]  }
0x3d: {  	_ =	shalt  }
0x3e: {  	_ =	shalt  }
0x3f: {  	_ =	shalt  }
0x40: {  	_ =	shalt  }
0x41: {  	_ =	shalt  }
0x42: {  	_ =	shalt  }
0x43: {  	_ =	shalt  }
0x44: {  	_ =	shalt  }
0x45: {  	_ =	shalt  }
0x46: {  	_ =	shalt  }
0x47: {  	_ =	shalt  }
0x48: {  	_ =	shalt  }
0x49: {  	_ =	shalt  }
0x4a: {  	_ =	shalt  }
0x4b: {  	_ =	shalt  }
0x4c: {  	_ =	shalt  }
0x4d: {  	_ =	shalt  }
0x4e: {  	_ =	shalt  }
0x4f: {  	_ =	shalt  }
0x50: {  	_ =	shalt  }
0x51: {  	_ =	shalt  }
0x52: {  	_ =	shalt  }
0x53: {  	_ =	shalt  }
0x54: {  	_ =	shalt  }
0x55: {  	_ =	shalt  }
0x56: {  	_ =	shalt  }
0x57: {  	_ =	shalt  }
0x58: {  	_ =	shalt  }
0x59: {  	_ =	shalt  }
0x5a: {  	_ =	shalt  }
0x5b: {  	_ =	shalt  }
0x5c: {  	_ =	shalt  }
0x5d: {  	_ =	shalt  }
0x5e: {  	_ =	shalt  }
0x5f: {  	_ =	shalt  }
0x60: {  	_ =	shalt  }
0x61: {  	_ =	shalt  }
0x62: {  	_ =	shalt  }
0x63: {  	_ =	shalt  }
0x64: {  	_ =	shalt  }
0x65: {  	_ =	shalt  }
0x66: {  	_ =	shalt  }
0x67: {  	_ =	shalt  }
0x68: {  	_ =	shalt  }
0x69: {  	_ =	shalt  }
0x6a: {  	_ =	shalt  }
0x6b: {  	_ =	shalt  }
0x6c: {  	_ =	shalt  }
0x6d: {  	_ =	shalt  }
0x6e: {  	_ =	shalt  }
0x6f: {  	_ =	shalt  }
0x70: {  	_ =	shalt  }
0x71: {  	_ =	shalt  }
0x72: {  	_ =	shalt  }
0x73: {  	_ =	shalt  }
0x74: {  	_ =	shalt  }
0x75: {  	_ =	shalt  }
0x76: {  	_ =	shalt  }
0x77: {  	_ =	shalt  }
0x78: {  	_ =	shalt  }
0x79: {  	_ =	shalt  }
0x7a: {  	_ =	shalt  }
0x7b: {  	_ =	shalt  }
0x7c: {  	_ =	shalt  }
0x7d: {  	_ =	shalt  }
0x7e: {  	_ =	shalt  }
0x7f: {  	_ =	shalt  }
0x80: {  	_ =	shalt  }
0x81: {  	_ =	shalt  }
0x82: {  	_ =	shalt  }
0x83: {  	_ =	shalt  }
0x84: {  	_ =	shalt  }
0x85: {  	_ =	shalt  }
0x86: {  	_ =	shalt  }
0x87: {  	_ =	shalt  }
.Lfunc_end0:
.L_simem_size_0:
called_computation.1_lowered:
.L_overlay_start_0:
0x88: {  	s2 =	sld [smem:$0x3FD9]  }
0x89: {  	s3 =	sld [smem:$0x3FFE];
	_ =	sdelay $0x1  }
0x8a: {  	s1 =	srdreg.scid  }
0x8b: {  	s0 =	sand.u32 $0x1, s1  }
0x8c: {  	s14 =	sshll.u32 s0, $0xA;
	s2 =	sadd.s32 s3, s2  }
0x8d: {  	s2 =	sadd.s32 s2, s14  }
0x8e: {  	[smem:$0x3FBE] =	sst s2  }
0x8f: {  	_ = 	snop  }
0x90: {  	s2 =	sld [smem:$0x3FD0];
	_ =	sdelay $0x2  }
0x91: {  	s15 =	simm.s32 $0xA;
	s4 =	simm.s32 $0x10  }
0x92: {  	[smem:s4], [sflag:s15] =	dma.local [hbm:s2], $0x1  }
0x93: {  	_ =	swait.eq [sflag:s15], $0x1  }
0x94: {  	[sflag:s15] =	ssyncset.done $0x0  }
0x95: {  	[sflag:s15] =	ssyncadd.s32 $0xFFFFFFFF  }
0x96: {  	s16 =	sld [smem:$0x11];
	(tm) =	ssettm $0x1  }
0x97: {  	s17 =	sld [smem:$0x3FFB];
	_ =	sdelay $0x3  }
0x98: {  	_ =	strace s17  }
0x99: {  	s3 =	sld [smem:$0x3FFC];
	_ =	sdelay $0x3  }
0x9a: {  	_ =	strace s3  }
0x9b: {  	s3 =	sld [smem:$0x3FFD];
	_ =	sdelay $0x3  }
0x9c: {  	_ =	strace s3  }
0x9d: {  	_ =	strace $0x8FFFFFFF  }
0x9e: {  	s18 =	sld [smem:$0x3FDB];
	_ =	sdelay $0x1  }
0x9f: {  	s19 =	simm.s32 $_scs_section_size  }
0xa0: {  	s5 =	simm.s32 $_size__tile_overlayer_lowered;
	s6 =	simm.s32 $_tile_overlayer_lowered  }
0xa1: {  	s22 =	simm.s32 $0x1BFF;
	s21 =	sshll.u32 s6, $0x1;
	s3 =	sadd.s32 s19, s18  }
0xa2: {  	s7 =	simm.s32 $0x0;
	s20 =	sshll.u32 s5, $0x1;
	s5 =	sadd.s32 s21, s3  }
0xa3: {  	[timem:s7], [sflag:s22] =	dma.local [hbm:s5], s20  }
0xa4: {  	_ =	swait.ge [sflag:s22], s20  }
0xa5: {  	s4 =	ssub.s32 $0x0, s20;
	[sflag:s22] =	ssyncset.done $0x0  }
0xa6: {  	[sflag:s22] =	ssyncadd.s32 s4;
	_ =	sdelay $0x1  }
0xa7: {  	s23 =	simm.s32 $0x1B8B  }
0xa8: {  	_ =	swait.ge [sflag:s23], $0x1  }
0xa9: {  	[sflag:s23] =	ssyncset.done $0x0  }
0xaa: {  	s25 =	simm.s32 $0x1B8E;
	s24 =	sld [smem:$0x3FFE];
	[sflag:s23] =	ssyncadd.s32 $0xFFFFFFFF  }
0xab: {  	s26 =	simm.s32 $execute0_lowered;
	[smem:$0x3FD2] =	sst s25  }
0xac: {  	s5 =	sshll.u32 s26, $0x1;
	_ =	strace $0x80000049;
	[dreg:$0x1] =	wrdreg $0xFFFFFFFF  }
0xad: {  	s28 =	simm.s32 $_size_execute0_lowered;
	s3 =	sadd.s32 s3, s5;
	[dreg:$0x0] =	wrdreg $0x0  }
0xae: {  	s5 =	sshll.u32 s28, $0x1;
	[dreg:$0x2] =	wrdreg s3  }
0xaf: {  	[dreg:$0x3] =	wrdreg s5  }
0xb0: {  	[dreg:$0x4] =	wrdreg $0xC0  }
0xb1: {  	_ =	task [dreg:s7], $0x5FFFF  }
0xb2: {  	[dreg:$0x1] =	wrdreg $0xFFFFFFFF  }
0xb3: {  	[dreg:$0x0] =	wrdreg $0x60  }
0xb4: {  	[dreg:$0x2] =	wrdreg s16  }
0xb5: {  	[dreg:$0x3] =	wrdreg s24  }
0xb6: {  	[dreg:$0x4] =	wrdreg $0xDE000  }
0xb7: {  	[dreg:$0x5] =	wrdreg $0x9  }
0xb8: {  	_ =	task.clear_ibuf [dreg:s7], $0x6FFFF;
	_ =	strace $0x90000049  }
0xb9: {  	s29 =	simm.s32 $0x9;
	_ =	strace $0x8000004B  }
0xba: {  	_ =	swait.ge [sflag:s29], $0x1  }
0xbb: {  	[sflag:s29] =	ssyncadd.s32 $0xFFFFFFFF  }
0xbc: {  	_ =	strace $0x9000004B  }
0xbd: {  	_ =	sfence  }
0xbe: {  	s30 =	sld [smem:$0x0];
	_ =	sdelay $0x2  }
0xbf: {  	s31 =	sshll.u32 s1, $0xD;
	s1 =	sshrl.u32 s1, $0x2  }
0xc0: {  	s3 =	sand.u32 $0x4000, s31;
	s1 =	sadd.s32 s1, s30  }
0xc1: {  	s0 =	sor.u32 s3, s0;
	s1 =	sshll.u32 s1, $0x11  }
0xc2: {  	s0 =	sor.u32 s1, s0  }
0xc3: {  	s0 =	sadd.s32 $0x8F2B, s0  }
0xc4: {  	[sflag:s0] =	ssyncadd.remote.s32 $0x1  }
0xc5: {  	_ =	sfence.sel $0xFFFF  }
0xc6: {  	[dreg:$0x0] =	wrdreg $0xFFFFFFFF;
	(pc) =	sbr.abs _section_cstart, $3  }
0xc7: {  	[dreg:$0x1] =	wrdreg $0xFFFFFFFF  }
0xc8: {  	_ =	task.clear_ibuf [dreg:s7], $0x2FFFF;
	_ =	strace $0x9FFFFFFF  }
0xc9: {  	(tm) =	ssettm $0x7FFFFFFF  }
tec
execute0_lowered:
.L_overlay_start_1:
0x0: {  	(tag) =	ssettag $0x1  }
0x1: {  	s1 =	rddreg [dreg:$0x0]  }
0x2: {  	s2 =	srdreg.scid;
	s5 =	rddreg [dreg:$0x1]  }
0x3: {  	s0 =	stileid.u32;
	s3 =	rddreg [dreg:$0x2]  }
0x4: {  	s4 =	simm.s32 $0x0;
	s15 =	simm.s32 $0x9E00;
	s16 =	simm.s32 $0xBE00  }
0x5: {  	s17 =	simm.s32 $0x1;
	s18 =	simm.s32 $0x2;
	s19 =	simm.s32 $0x4E80  }
0x6: {  	s20 =	simm.s32 $0x9D00;
	s21 =	simm.s32 $0x9D80;
	s7 =	smul.u32 $0x4F00, s0  }
0x7: {  	s6 =	sand.u32 $0x1, s2;
	s2 =	rddreg [dreg:$0x3];
	s9 =	smul.u32 $0x9E00, s0  }
0x8: {  	s22 =	simm.s32 $0x0;
	[smem:$0x7FF] =	sst s4;
	s8 =	smul.u32 $0x4F000, s6  }
0x9: {  	s31 =	sshll.u32 s0, $0x6;
	s10 =	smul.u32 $0x9E000, s6;
	s6 =	ssub.s32 $0x2, s6  }
0xa: {  	_ =	strace $0x8000004A;
	s29 =	sshrl.u32 s9, $0x3;
	s30 =	sshrl.u32 s6, $0x1  }
0xb: {  	s14 =	sadd.s32 s9, s3;
	s8 =	sadd.s32 s7, s8;
	s7 =	sshrl.u32 s7, $0x3  }
0xc: {  	s28 =	sadd.s32 s9, s10;
	s10 =	sadd.s32 s29, s5;
	s13 =	ssub.s32 s6, s30  }
0xd: {  	s8 =	sshrl.u32 s8, $0x3;
	s11 =	sadd.s32 s7, s5;
	s7 =	sshrl.u32 s28, $0x3  }
0xe: {  	s6 =	sor.u32 $0x1C03, s31;
	s8 =	sadd.s32 s8, s5;
	s12 =	sadd.s32 s7, s5  }
0xf: {  	s5 =	sadd.s32 $0x1FC00, s10;
	s10 =	smax.u32 s13, $0x1;
	s13 =	simm.s32 $0x4F00  }
0x10: {  	s7 =	sadd.s32 $0x2200, s8;
	s8 =	sadd.s32 $0x15E00, s11;
	s9 =	sadd.s32 $0x33800, s12  }
0x11: {  	s11 =	sshrl.u32 s14, $0x3;
	s12 =	simm.s32 $0x3;
	s14 =	simm.s32 $0x80  }
.LBB2_1:
0x12: {  	[spmem:s11], [sflag:s6] =	dma.local [hbm:s5], $0x13C0  }
0x13: {  	_ =	swait.ge [sflag:s12], $0x13C0  }
0x14: {  	[sflag:s12] =	ssyncset.done $0x0  }
0x15: {  	[sflag:s12] =	ssyncadd.s32 $0xFFFFEC40  }
0x16: {  	[tilespmem:s4], [sflag:$0x3] =	stream.linear.gather [hbm4b:s7+s4], $0x4F00, $0x38;
	[tilespmem:$0x17C00] =	vst v63  }
0x17: {  	_ =	swait.ge [sflag:s12], $0x4F00  }
0x18: {  	[sflag:s12] =	ssyncset.done $0x0  }
0x19: {  	[sflag:s12] =	ssyncadd.s32 $0xFFFFB100  }
0x1a: {  	[tilespmem:s13], [sflag:$0x3] =	stream.linear.gather [hbm4b:s8+s4], $0x4F00, $0x38;
	[tilespmem:$0x17C00] =	vst v63  }
0x1b: {  	_ =	swait.ge [sflag:s12], $0x4F00  }
0x1c: {  	[sflag:s12] =	ssyncset.done $0x0  }
0x1d: {  	[sflag:s12] =	ssyncadd.s32 $0xFFFFB100  }
0x1e: {  	[tilespmem:s15], [sflag:$0x1] =	stream.indirect.gather [hbm4b:s1+s14], $0x40, s4, s14, $0xb8;
	[tilespmem:$0x17C00] =	vst v63  }
0x1f: {  	s23 =	simm.s32 $0x80;
	[bflag:$0x0] =	sbarrier.arrive $0xFFFF  }
0x20: {  	[tilespmem:s16], [sflag:$0x2] =	stream.indirect.gather [hbm4b:s1+s14], $0x40, s23, s14, $0xb8;
	[tilespmem:$0x17C00] =	vst v63  }
0x21: {  	_ =	swait.ge [sflag:s17], $0x2000  }
0x22: {  	[sflag:s17] =	ssyncset.done $0x0  }
0x23: {  	s29 =	simm.s32 $0x4F00;
	[sflag:s17] =	ssyncadd.s32 $0xFFFFE000  }
0x24: {  	[spmem:s3] =	stream.indirect.scatter.add.f32 [tilespmem:s15], [sflag:$0x3], $0x40, s29, s14, $0xb8;
	[tilespmem:$0x17C00] =	vst v63  }
0x25: {  	_ =	swait.ge [sflag:s12], $0x2000  }
0x26: {  	[sflag:s12] =	ssyncset.done $0x0  }
0x27: {  	s30 =	simm.s32 $0x100;
	[sflag:s12] =	ssyncadd.s32 $0xFFFFE000  }
0x28: {  	[tilespmem:s15], [sflag:$0x1] =	stream.indirect.gather [hbm4b:s1+s14], $0x40, s30, s14, $0xb8;
	[tilespmem:$0x17C00] =	vst v63  }
0x29: {  	_ =	swait.ge [sflag:s18], $0x2000  }
0x2a: {  	[sflag:s18] =	ssyncset.done $0x0  }
0x2b: {  	s31 =	simm.s32 $0x4F80;
	[sflag:s18] =	ssyncadd.s32 $0xFFFFE000  }
0x2c: {  	[spmem:s3] =	stream.indirect.scatter.add.f32 [tilespmem:s16], [sflag:$0x3], $0x40, s31, s14, $0xb8;
	[tilespmem:$0x17C00] =	vst v63  }
0x2d: {  	_ =	swait.ge [sflag:s12], $0x2000  }
0x2e: {  	s24 =	simm.s32 $0x800;
	s23 =	simm.s32 $0x100;
	[sflag:s12] =	ssyncset.done $0x0  }
.LBB2_2:
0x2f: {  	s25 =	sadd.s32 $0x80, s23  }
0x30: {  	[sflag:s12] =	ssyncadd.s32 $0xFFFFE000;
	s26 =	smov.u32 s24;
	s28 =	sadd.s32 $0x400, s24  }
0x31: {  	[tilespmem:s16], [sflag:$0x2] =	stream.indirect.gather [hbm4b:s1+s14], $0x40, s25, s14, $0xb8;
	[tilespmem:$0x17C00] =	vst v63  }
0x32: {  	p0 =	sne.s32 s24, $0x13400;
	_ =	swait.ge [sflag:s17], $0x2000  }
0x33: {  	[sflag:s17] =	ssyncset.done $0x0  }
0x34: {  	s24 =	sadd.s32 $0x4F00, s23;
	[sflag:s17] =	ssyncadd.s32 $0xFFFFE000  }
0x35: {  	[spmem:s3] =	stream.indirect.scatter.add.f32 [tilespmem:s15], [sflag:$0x3], $0x40, s24, s14, $0xb8;
	[tilespmem:$0x17C00] =	vst v63  }
0x36: {  	_ =	swait.ge [sflag:s12], $0x2000  }
0x37: {  	[sflag:s12] =	ssyncset.done $0x0  }
0x38: {  	s24 =	sadd.s32 $0x100, s23;
	[sflag:s12] =	ssyncadd.s32 $0xFFFFE000  }
0x39: {  	[tilespmem:s15], [sflag:$0x1] =	stream.indirect.gather [hbm4b:s1+s14], $0x40, s24, s14, $0xb8;
	[tilespmem:$0x17C00] =	vst v63  }
0x3a: {  	_ =	swait.ge [sflag:s18], $0x2000  }
.Ltmp0:
0x3b: {  	[sflag:s18] =	ssyncset.done $0x0;
	(pc) =	sbr.rel @p0 .LBB2_2-.Ltmp0, $4  }
0x3c: {  	s23 =	sadd.s32 $0x4F80, s23;
	[sflag:s18] =	ssyncadd.s32 $0xFFFFE000  }
0x3d: {  	[spmem:s3] =	stream.indirect.scatter.add.f32 [tilespmem:s16], [sflag:$0x3], $0x40, s23, s14, $0xb8;
	[tilespmem:$0x17C00] =	vst v63  }
0x3e: {  	_ =	swait.ge [sflag:s12], $0x2000  }
0x3f: {  	s24 =	smov.u32 s28;
	s23 =	sshra.s32 s26, $0x2;
	[sflag:s12] =	ssyncset.done $0x0  }
0x40: {  	s24 =	sadd.s32 $0x80, s23;
	[sflag:s12] =	ssyncadd.s32 $0xFFFFE000  }
0x41: {  	[tilespmem:s16], [sflag:$0x2] =	stream.indirect.gather [hbm4b:s1+s14], $0x40, s24, s14, $0xb8;
	[tilespmem:$0x17C00] =	vst v63  }
0x42: {  	_ =	swait.ge [sflag:s17], $0x2000  }
0x43: {  	[sflag:s17] =	ssyncset.done $0x0  }
0x44: {  	s29 =	sadd.s32 $0x4F00, s23;
	[sflag:s17] =	ssyncadd.s32 $0xFFFFE000  }
0x45: {  	[spmem:s3] =	stream.indirect.scatter.add.f32 [tilespmem:s15], [sflag:$0x3], $0x40, s29, s14, $0xb8;
	[tilespmem:$0x17C00] =	vst v63  }
0x46: {  	_ =	swait.ge [sflag:s12], $0x2000  }
0x47: {  	[sflag:s12] =	ssyncset.done $0x0  }
0x48: {  	s30 =	sadd.s32 $0x100, s23;
	[sflag:s12] =	ssyncadd.s32 $0xFFFFE000  }
0x49: {  	[tilespmem:s15], [sflag:$0x1] =	stream.indirect.gather [hbm4b:s1+s14], $0x40, s30, s14, $0xb8;
	[tilespmem:$0x17C00] =	vst v63  }
0x4a: {  	_ =	swait.ge [sflag:s18], $0x2000  }
0x4b: {  	[sflag:s18] =	ssyncset.done $0x0  }
0x4c: {  	s31 =	sadd.s32 $0x4F80, s23;
	[sflag:s18] =	ssyncadd.s32 $0xFFFFE000  }
0x4d: {  	[spmem:s3] =	stream.indirect.scatter.add.f32 [tilespmem:s16], [sflag:$0x3], $0x40, s31, s14, $0xb8;
	[tilespmem:$0x17C00] =	vst v63  }
0x4e: {  	_ =	swait.ge [sflag:s12], $0x2000  }
0x4f: {  	[sflag:s12] =	ssyncset.done $0x0  }
0x50: {  	[sflag:s12] =	ssyncadd.s32 $0xFFFFE000  }
0x51: {  	[tilespmem:s16], [sflag:$0x2] =	stream.indirect.gather [hbm4b:s1+s14], $0x40, s19, s14, $0xb8;
	[tilespmem:$0x17C00] =	vst v63  }
0x52: {  	_ =	swait.ge [sflag:s17], $0x2000  }
0x53: {  	[sflag:s17] =	ssyncset.done $0x0  }
0x54: {  	[sflag:s17] =	ssyncadd.s32 $0xFFFFE000  }
0x55: {  	[spmem:s3] =	stream.indirect.scatter.add.f32 [tilespmem:s15], [sflag:$0x3], $0x40, s20, s14, $0xb8;
	[tilespmem:$0x17C00] =	vst v63  }
0x56: {  	_ =	swait.ge [sflag:s12], $0x2000  }
0x57: {  	[sflag:s12] =	ssyncset.done $0x0  }
0x58: {  	[sflag:s12] =	ssyncadd.s32 $0xFFFFE000  }
0x59: {  	_ =	swait.ge [sflag:s18], $0x2000  }
0x5a: {  	[sflag:s18] =	ssyncset.done $0x0  }
0x5b: {  	[sflag:s18] =	ssyncadd.s32 $0xFFFFE000  }
0x5c: {  	[spmem:s3] =	stream.indirect.scatter.add.f32 [tilespmem:s16], [sflag:$0x3], $0x40, s21, s14, $0xb8;
	[tilespmem:$0x17C00] =	vst v63  }
0x5d: {  	_ =	swait.ge [sflag:s12], $0x2000  }
0x5e: {  	s22 =	sadd.s32 $0x1, s22;
	[sflag:s12] =	ssyncset.done $0x0  }
0x5f: {  	p0 =	sne.s32 s22, s10;
	[sflag:s12] =	ssyncadd.s32 $0xFFFFE000  }
.Ltmp1:
0x60: {  	[bflag:$0x0] =	sbarrier.arrive $0xFFFF;
	(pc) =	sbr.rel @p0 .LBB2_1-.Ltmp1, $4  }
0x61: {  	[hbm:s9], [sflag:s6] =	dma.local [spmem:s11], $0x13C0  }
0x62: {  	_ =	swait.ge [sflag:s12], $0x13C0  }
0x63: {  	[sflag:s12] =	ssyncset.done $0x0  }
0x64: {  	[sflag:s12] =	ssyncadd.s32 $0xFFFFEC40  }
0x65: {  	_ =	sfence.sel $0x180000  }
0x66: {  	[bflag:$0x0] =	sbarrier.arrive $0xFFFF  }
0x67: {  	p0 =	sne.s32 s0, $0x0;
	_ =	strace $0x9000004A  }
0x68: {  	s0 =	sadd.s32 @!p0 $0x100000, s2;
	[bflag:$0x2] =	sbarrier.arrive $0xFFFF  }
0x69: {  	[sflag:s0] =	ssyncadd.tile.s32 @!p0 $0x1;
	_ =	shalt  }
.Lfunc_end2:
_tile_overlayer_lowered:
.L_overlay_start_2:
0x6a: {  	(tag) =	ssettag $0x2  }
0x6b: {  	s0 =	rddreg [dreg:$0x0];
	s2 =	stileid.u32  }
0x6c: {  	s1 =	rddreg [dreg:$0x1];
	p0 =	sne.s32 s2, $0x0  }
0x6d: {  	s3 =	rddreg [dreg:$0x2];
	[bflag:$0x3] =	sbarrier.arrive $0xFFFF;
	s2 =	simm.s32 @!p0 $0x1C03  }
0x6e: {  	[timem:s3], [sflag:s2] =	dma.local @!p0 [hbm:s0], s1  }
0x6f: {  	s0 =	simm.s32 @!p0 $0x3  }
0x70: {  	_ =	swait.ge @!p0 [sflag:s0], s1  }
0x71: {  	s1 =	ssub.s32 @!p0 $0x0, s1;
	[sflag:s0] =	ssyncset.done @!p0 $0x0  }
0x72: {  	[sflag:s0] =	ssyncadd.s32 @!p0 s1  }
0x73: {  	[bflag:$0x3] =	sbarrier.arrive $0xFFFF  }
0x74: {  	_ =	shalt  }

// kernel: kernel.7.cloned.1.call-start
scs
__scs_entry_jumppad:
0x0: {  	(pc) =	sbr.rel $0x88, $3  }
0x1: {  	(tag) =	ssettag $0x0;
	lr =	simm.s32 $0x1  }
0x2: {  	[smem:$0x3F97] =	sst lr;
	_ =	strace $0xD0000000  }
0x3: {  	_ = 	snop  }
0x4: {  	_ = 	snop  }
0x5: {  	_ = 	snop  }
0x6: {  	_ = 	snop  }
0x7: {  	_ = 	snop  }
__scs_overlays_trampoline_lowered:
0x8: {  	[smem:$0x3FA6] =	sst s0  }
0x9: {  	[smem:$0x3FA7] =	sst s1  }
0xa: {  	[smem:$0x3FA8] =	sst s2  }
0xb: {  	[smem:$0x3FA9] =	sst s3  }
0xc: {  	[smem:$0x3FAA] =	sst s4  }
0xd: {  	[smem:$0x3FAB] =	sst s5  }
0xe: {  	[smem:$0x3FAC] =	sst s6  }
0xf: {  	[smem:$0x3FAD] =	sst s7  }
0x10: {  	[smem:$0x3FAE] =	sst s8  }
0x11: {  	[smem:$0x3FAF] =	sst s9;
	s0 =	simm.s32 @!p0 $0x0  }
0x12: {  	s1 =	sld [smem:$0x3F95];
	s0 =	simm.s32 @p0 $0x1  }
0x13: {  	[smem:$0x3FB0] =	sst s0;
	s0 =	simm.s32 @!p1 $0x0  }
0x14: {  	s2 =	sld [smem:$0x3F94];
	s0 =	simm.s32 @p1 $0x1  }
0x15: {  	[smem:$0x3FB1] =	sst s0;
	s0 =	simm.s32 @!p2 $0x0  }
0x16: {  	s3 =	sld [smem:$0x3FDB];
	s0 =	simm.s32 @p2 $0x1  }
0x17: {  	s4 =	simm.s32 $0x1BF5;
	[smem:$0x3FB3] =	sst s0  }
0x18: {  	s0 =	sld [smem:$0x3F96];
	_ =	swait.ge [sflag:s4], $0x0  }
0x19: {  	s7 =	sld [smem:$0x3F97]  }
0x1a: {  	s8 =	sadd.s32 $0xFFFFE003, lr  }
0x1b: {  	s9 =	sadd.s32 $0xFFFFFEF7, lr;
	s5 =	simm.s32 $0xFFFFFFFF;
	p2 =	slt.u32 s8, $0xFFFFF086  }
0x1c: {  	p1 =	slt.u32 s9, $0xF7A;
	s5 =	simm.s32 @!p2 $0x0  }
0x1d: {  	s5 =	simm.s32 @p1 $0x1;
	p0 =	seq.s32 s7, s2  }
0x1e: {  	s7 =	smul.u32 @!p0 $0xF7A, s2;
	p2 =	seq.s32 @!p0 s5, $0x0  }
0x1f: {  	s9 =	smul.u32 $0xF7A, s1;
	s8 =	simm.s32 @!p0 $0x1BF5;
	p2 =	por !p2, p0  }
0x20: {  	[sflag:s8] =	ssyncset.s32 @!p0 $0xFFFFF086;
	s6 =	sadd.s32 @!p0 s3, s7;
	s7 =	simm.s32 @!p0 $0x108  }
0x21: {  	s3 =	sadd.s32 s3, s9;
	s6 =	sadd.s32 @!p0 $0x88, s6;
	s7 =	simm.s32 @p2 $0x1082  }
0x22: {  	[simem:s7], [sflag:s8] =	dma.local @!p0 [hbm:s6], $0xF7A  }
0x23: {  	s9 =	sor.u32 $0xD0000000, s2;
	s6 =	simm.s32 $0x108;
	_ =	swait.ge @!p0 [sflag:s8], $0x0  }
0x24: {  	s3 =	sadd.s32 $0x88, s3;
	s6 =	simm.s32 @!p1 $0x1082;
	[sflag:s4] =	ssyncset.s32 $0xFFFFF086  }
0x25: {  	[simem:s6], [sflag:s4] =	dma.local [hbm:s3], $0xF7A  }
0x26: {  	[smem:$0x3F97] =	sst s1;
	(tag) =	ssettag s2;
	_ =	strace s9  }
0x27: {  	s1 =	sld [smem:$0x3FA7]  }
0x28: {  	s2 =	sld [smem:$0x3FA8]  }
0x29: {  	s4 =	sld [smem:$0x3FAA]  }
0x2a: {  	p0 =	seq.s32 s5, $0x0;
	s5 =	sld [smem:$0x3FAB]  }
0x2b: {  	s6 =	sld [smem:$0x3FAC]  }
0x2c: {  	s7 =	sld [smem:$0x3FAD]  }
0x2d: {  	s3 =	simm.s32 $0x108;
	s8 =	sld [smem:$0x3FAE]  }
0x2e: {  	s3 =	simm.s32 @!p0 $0x1082;
	s9 =	sld [smem:$0x3FAF]  }
0x2f: {  	lr =	sadd.s32 s0, s3;
	s0 =	sld [smem:$0x3FA6]  }
0x30: {  	s3 =	sld [smem:$0x3FA9]  }
0x31: {  	[smem:$0x3FB2] =	sst s10  }
0x32: {  	s10 =	sld [smem:$0x3FB0];
	_ =	sdelay $0x3  }
0x33: {  	p0 =	seq.s32 s10, $0x1;
	s10 =	sld [smem:$0x3FB2];
	_ =	sdelay $0x3  }
0x34: {  	[smem:$0x3FB2] =	sst s10  }
0x35: {  	s10 =	sld [smem:$0x3FB1];
	_ =	sdelay $0x3  }
0x36: {  	p1 =	seq.s32 s10, $0x1;
	s10 =	sld [smem:$0x3FB2];
	_ =	sdelay $0x3  }
0x37: {  	[smem:$0x3FB2] =	sst s10  }
0x38: {  	s10 =	sld [smem:$0x3FB3]  }
0x39: {  	_ = 	snop;
	(pc) =	sbr.ind lr, $3  }
0x3a: {  	_ = 	snop  }
0x3b: {  	_ = 	snop  }
0x3c: {  	p2 =	seq.s32 s10, $0x1;
	s10 =	sld [smem:$0x3FB2]  }
0x3d: {  	_ =	shalt  }
0x3e: {  	_ =	shalt  }
0x3f: {  	_ =	shalt  }
0x40: {  	_ =	shalt  }
0x41: {  	_ =	shalt  }
0x42: {  	_ =	shalt  }
0x43: {  	_ =	shalt  }
0x44: {  	_ =	shalt  }
0x45: {  	_ =	shalt  }
0x46: {  	_ =	shalt  }
0x47: {  	_ =	shalt  }
0x48: {  	_ =	shalt  }
0x49: {  	_ =	shalt  }
0x4a: {  	_ =	shalt  }
0x4b: {  	_ =	shalt  }
0x4c: {  	_ =	shalt  }
0x4d: {  	_ =	shalt  }
0x4e: {  	_ =	shalt  }
0x4f: {  	_ =	shalt  }
0x50: {  	_ =	shalt  }
0x51: {  	_ =	shalt  }
0x52: {  	_ =	shalt  }
0x53: {  	_ =	shalt  }
0x54: {  	_ =	shalt  }
0x55: {  	_ =	shalt  }
0x56: {  	_ =	shalt  }
0x57: {  	_ =	shalt  }
0x58: {  	_ =	shalt  }
0x59: {  	_ =	shalt  }
0x5a: {  	_ =	shalt  }
0x5b: {  	_ =	shalt  }
0x5c: {  	_ =	shalt  }
0x5d: {  	_ =	shalt  }
0x5e: {  	_ =	shalt  }
0x5f: {  	_ =	shalt  }
0x60: {  	_ =	shalt  }
0x61: {  	_ =	shalt  }
0x62: {  	_ =	shalt  }
0x63: {  	_ =	shalt  }
0x64: {  	_ =	shalt  }
0x65: {  	_ =	shalt  }
0x66: {  	_ =	shalt  }
0x67: {  	_ =	shalt  }
0x68: {  	_ =	shalt  }
0x69: {  	_ =	shalt  }
0x6a: {  	_ =	shalt  }
0x6b: {  	_ =	shalt  }
0x6c: {  	_ =	shalt  }
0x6d: {  	_ =	shalt  }
0x6e: {  	_ =	shalt  }
0x6f: {  	_ =	shalt  }
0x70: {  	_ =	shalt  }
0x71: {  	_ =	shalt  }
0x72: {  	_ =	shalt  }
0x73: {  	_ =	shalt  }
0x74: {  	_ =	shalt  }
0x75: {  	_ =	shalt  }
0x76: {  	_ =	shalt  }
0x77: {  	_ =	shalt  }
0x78: {  	_ =	shalt  }
0x79: {  	_ =	shalt  }
0x7a: {  	_ =	shalt  }
0x7b: {  	_ =	shalt  }
0x7c: {  	_ =	shalt  }
0x7d: {  	_ =	shalt  }
0x7e: {  	_ =	shalt  }
0x7f: {  	_ =	shalt  }
0x80: {  	_ =	shalt  }
0x81: {  	_ =	shalt  }
0x82: {  	_ =	shalt  }
0x83: {  	_ =	shalt  }
0x84: {  	_ =	shalt  }
0x85: {  	_ =	shalt  }
0x86: {  	_ =	shalt  }
0x87: {  	_ =	shalt  }
.Lfunc_end0:
.L_simem_size_0:
called_computation_lowered:
.L_overlay_start_0:
0x88: {  	s2 =	sld [smem:$0x3FD9]  }
0x89: {  	s3 =	sld [smem:$0x3FFE];
	_ =	sdelay $0x1  }
0x8a: {  	s1 =	srdreg.scid  }
0x8b: {  	s0 =	sand.u32 $0x1, s1  }
0x8c: {  	s14 =	sshll.u32 s0, $0xA;
	s2 =	sadd.s32 s3, s2  }
0x8d: {  	s2 =	sadd.s32 s2, s14  }
0x8e: {  	[smem:$0x3FBE] =	sst s2  }
0x8f: {  	_ = 	snop  }
0x90: {  	s2 =	sld [smem:$0x3FD0];
	_ =	sdelay $0x2  }
0x91: {  	s15 =	simm.s32 $0xA;
	s4 =	simm.s32 $0x10  }
0x92: {  	[smem:s4], [sflag:s15] =	dma.local [hbm:s2], $0x1  }
0x93: {  	_ =	swait.eq [sflag:s15], $0x1  }
0x94: {  	[sflag:s15] =	ssyncset.done $0x0  }
0x95: {  	s16 =	sld [smem:$0x10];
	[sflag:s15] =	ssyncadd.s32 $0xFFFFFFFF  }
0x96: {  	s17 =	sld [smem:$0x11];
	(tm) =	ssettm $0x1  }
0x97: {  	s18 =	sld [smem:$0x3FFB];
	_ =	sdelay $0x3  }
0x98: {  	_ =	strace s18  }
0x99: {  	s4 =	sld [smem:$0x3FFC];
	_ =	sdelay $0x3  }
0x9a: {  	_ =	strace s4  }
0x9b: {  	s4 =	sld [smem:$0x3FFD];
	_ =	sdelay $0x3  }
0x9c: {  	_ =	strace s4  }
0x9d: {  	_ =	strace $0x8FFFFFFF  }
0x9e: {  	s19 =	sld [smem:$0x3FDB];
	_ =	sdelay $0x1  }
0x9f: {  	s5 =	simm.s32 $_scs_section_size  }
0xa0: {  	s6 =	simm.s32 $_size__tile_overlayer_lowered;
	s7 =	simm.s32 $_tile_overlayer_lowered  }
0xa1: {  	s22 =	simm.s32 $0x1BFF;
	s21 =	sshll.u32 s7, $0x1;
	s4 =	sadd.s32 s5, s19  }
0xa2: {  	s8 =	simm.s32 $0x0;
	s20 =	sshll.u32 s6, $0x1;
	s6 =	sadd.s32 s21, s4  }
0xa3: {  	[timem:s8], [sflag:s22] =	dma.local [hbm:s6], s20  }
0xa4: {  	_ =	swait.ge [sflag:s22], s20  }
0xa5: {  	s5 =	ssub.s32 $0x0, s20;
	[sflag:s22] =	ssyncset.done $0x0  }
0xa6: {  	[sflag:s22] =	ssyncadd.s32 s5;
	_ =	sdelay $0x1  }
0xa7: {  	s23 =	simm.s32 $0x1B8B  }
0xa8: {  	_ =	swait.ge [sflag:s23], $0x1  }
0xa9: {  	[sflag:s23] =	ssyncset.done $0x0  }
0xaa: {  	s25 =	simm.s32 $0x1B8E;
	s24 =	sld [smem:$0x3FFE];
	[sflag:s23] =	ssyncadd.s32 $0xFFFFFFFF  }
0xab: {  	s26 =	simm.s32 $execute0_lowered;
	[smem:$0x3FD2] =	sst s25  }
0xac: {  	s6 =	sshll.u32 s26, $0x1;
	_ =	strace $0x80000046;
	[dreg:$0x1] =	wrdreg $0xFFFFFFFF  }
0xad: {  	s28 =	simm.s32 $_size_execute0_lowered;
	s4 =	sadd.s32 s4, s6;
	[dreg:$0x0] =	wrdreg $0x0  }
0xae: {  	s6 =	sshll.u32 s28, $0x1;
	[dreg:$0x2] =	wrdreg s4  }
0xaf: {  	[dreg:$0x3] =	wrdreg s6  }
0xb0: {  	[dreg:$0x4] =	wrdreg $0xC0  }
0xb1: {  	_ =	task [dreg:s8], $0x5FFFF  }
0xb2: {  	[dreg:$0x1] =	wrdreg $0xFFFFFFFF  }
0xb3: {  	[dreg:$0x0] =	wrdreg $0x60  }
0xb4: {  	[dreg:$0x2] =	wrdreg s17  }
0xb5: {  	[dreg:$0x3] =	wrdreg s24  }
0xb6: {  	[dreg:$0x4] =	wrdreg s16  }
0xb7: {  	[dreg:$0x5] =	wrdreg $0xDE000  }
0xb8: {  	[dreg:$0x6] =	wrdreg $0x184000  }
0xb9: {  	[dreg:$0x7] =	wrdreg $0x9  }
0xba: {  	_ =	task.clear_ibuf [dreg:s8], $0x8FFFF;
	_ =	strace $0x90000046  }
0xbb: {  	s29 =	simm.s32 $0x9;
	_ =	strace $0x80000048  }
0xbc: {  	_ =	swait.ge [sflag:s29], $0x1  }
0xbd: {  	[sflag:s29] =	ssyncadd.s32 $0xFFFFFFFF  }
0xbe: {  	_ =	strace $0x90000048  }
0xbf: {  	_ =	sfence  }
0xc0: {  	s30 =	sld [smem:$0x0];
	_ =	sdelay $0x2  }
0xc1: {  	s31 =	sshll.u32 s1, $0xD;
	s1 =	sshrl.u32 s1, $0x2  }
0xc2: {  	s3 =	sand.u32 $0x4000, s31;
	s1 =	sadd.s32 s1, s30  }
0xc3: {  	s0 =	sor.u32 s3, s0;
	s1 =	sshll.u32 s1, $0x11  }
0xc4: {  	s0 =	sor.u32 s1, s0  }
0xc5: {  	s0 =	sadd.s32 $0x8F2B, s0  }
0xc6: {  	[sflag:s0] =	ssyncadd.remote.s32 $0x1  }
0xc7: {  	_ =	sfence.sel $0xFFFF  }
0xc8: {  	[dreg:$0x0] =	wrdreg $0xFFFFFFFF;
	(pc) =	sbr.abs _section_cstart, $3  }
0xc9: {  	[dreg:$0x1] =	wrdreg $0xFFFFFFFF  }
0xca: {  	_ =	task.clear_ibuf [dreg:s8], $0x2FFFF;
	_ =	strace $0x9FFFFFFF  }
0xcb: {  	(tm) =	ssettm $0x7FFFFFFF  }
tec
execute0_lowered:
.L_overlay_start_1:
0x0: {  	(tag) =	ssettag $0x1  }
0x1: {  	s1 =	rddreg [dreg:$0x0]  }
0x2: {  	s0 =	rddreg [dreg:$0x1];
	s2 =	srdreg.scid  }
0x3: {  	s17 =	stileid.u32;
	s4 =	rddreg [dreg:$0x3]  }
0x4: {  	s5 =	rddreg [dreg:$0x4];
	s6 =	simm.s32 $0x0;
	s3 =	smul.u32 $0x4F00, s17  }
0x5: {  	s20 =	simm.s32 $0x80;
	s21 =	simm.s32 $0x9E00;
	s8 =	smul.u32 $0x9E00, s17  }
0x6: {  	s22 =	simm.s32 $0xBE00;
	s2 =	sand.u32 $0x1, s2;
	s9 =	smul.u32 $0x2780, s17  }
0x7: {  	s23 =	simm.s32 $0x1;
	s29 =	simm.s32 $0x0;
	s7 =	smul.u32 $0x4F000, s2  }
0x8: {  	[smem:$0x7FF] =	sst s6;
	s28 =	sshll.u32 s17, $0x6;
	s24 =	smul.u32 $0x9E000, s2  }
0x9: {  	_ =	strace $0x80000047;
	s13 =	smul.u32 $0x27800, s2;
	s14 =	ssub.s32 $0x2, s2  }
0xa: {  	p0 =	sne.s32 s2, $0x0;
	p1 =	seq.s32 s2, $0x0;
	s11 =	sshrl.u32 s8, $0x3  }
0xb: {  	s12 =	sshrl.u32 s9, $0x3;
	s15 =	sshrl.u32 s14, $0x1;
	s25 =	sadd.s32 s8, s4  }
0xc: {  	s30 =	sadd.s32 s9, s5;
	s7 =	sadd.s32 s3, s7;
	s3 =	sshrl.u32 s3, $0x3  }
0xd: {  	s11 =	sadd.s32 s11, s0;
	s12 =	sadd.s32 s12, s0;
	s13 =	sadd.s32 s9, s13  }
0xe: {  	s14 =	ssub.s32 s14, s15;
	s15 =	sshrl.u32 s25, $0x3;
	s17 =	sshrl.u32 s30, $0x3  }
0xf: {  	s25 =	simm.s32 $0x2;
	s7 =	sshrl.u32 s7, $0x3;
	s3 =	sadd.s32 s3, s0  }
0x10: {  	s13 =	sshrl.u32 s13, $0x3;
	s26 =	sadd.s32 $0x1FC00, s11;
	s31 =	sadd.s32 $0x33800, s12  }
0x11: {  	s14 =	smax.u32 s14, $0x1;
	s10 =	sadd.s32 s7, s0;
	[dreg:$0x6] =	wrdreg s26  }
0x12: {  	s7 =	sadd.s32 s8, s24;
	s8 =	sor.u32 $0x1C03, s28;
	[dreg:$0x7] =	wrdreg s31  }
0x13: {  	s11 =	sadd.s32 $0x15E00, s3;
	s24 =	simm.s32 $0x4;
	s7 =	sshrl.u32 s7, $0x3  }
0x14: {  	s10 =	sadd.s32 $0x2200, s10;
	s16 =	sadd.s32 s7, s0;
	s0 =	sadd.s32 s13, s0  }
0x15: {  	s12 =	sadd.s32 $0x42600, s16;
	s13 =	sadd.s32 $0x38800, s0;
	s16 =	simm.s32 $0x3  }
.LBB2_1:
0x16: {  	s0 =	rddreg [dreg:$0x6]  }
0x17: {  	[spmem:s15], [sflag:s8] =	dma.local [hbm:s0], $0x13C0  }
0x18: {  	_ =	swait.ge [sflag:s16], $0x13C0  }
0x19: {  	[sflag:s16] =	ssyncset.done $0x0  }
0x1a: {  	s9 =	rddreg [dreg:$0x7];
	[sflag:s16] =	ssyncadd.s32 $0xFFFFEC40  }
0x1b: {  	[spmem:s17], [sflag:s8] =	dma.local [hbm:s9], $0x4F0  }
0x1c: {  	_ =	swait.ge [sflag:s16], $0x4F0  }
0x1d: {  	[sflag:s16] =	ssyncset.done $0x0  }
0x1e: {  	[sflag:s16] =	ssyncadd.s32 $0xFFFFFB10  }
0x1f: {  	s2 =	simm.s32 $0x17C00;
	s18 =	rddreg [dreg:$0x2]  }
0x20: {  	[tilespmem:s2], [sflag:$0x3] =	stream.linear.gather [hbm4b:s18+s6], $0x800, $0x38;
	[tilespmem:$0x1AB80] =	vst v63  }
0x21: {  	_ =	swait.ge [sflag:s16], $0x800  }
0x22: {  	[sflag:s16] =	ssyncset.done $0x0  }
0x23: {  	[sflag:s16] =	ssyncadd.s32 $0xFFFFF800  }
0x24: {  	[tilespmem:s6], [sflag:$0x3] =	stream.linear.gather [hbm4b:s10+s6], $0x4F00, $0x38;
	[tilespmem:$0x1AB80] =	vst v63  }
0x25: {  	_ =	swait.ge [sflag:s16], $0x4F00  }
0x26: {  	[sflag:s16] =	ssyncset.done $0x0  }
0x27: {  	s19 =	simm.s32 $0x4F00;
	[sflag:s16] =	ssyncadd.s32 $0xFFFFB100  }
0x28: {  	[tilespmem:s19], [sflag:$0x3] =	stream.linear.gather [hbm4b:s11+s6], $0x4F00, $0x38;
	[tilespmem:$0x1AB80] =	vst v63  }
0x29: {  	_ =	swait.ge [sflag:s16], $0x4F00  }
0x2a: {  	[sflag:s16] =	ssyncset.done $0x0  }
0x2b: {  	[sflag:s16] =	ssyncadd.s32 $0xFFFFB100  }
0x2c: {  	[tilespmem:s21], [sflag:$0x1] =	stream.indirect.gather [hbm4b:s1+s20], $0x40, s6, s20, $0xb8;
	[tilespmem:$0x1AB80] =	vst v63  }
0x2d: {  	s26 =	simm.s32 $0x80;
	[bflag:$0x0] =	sbarrier.arrive $0xFFFF  }
0x2e: {  	[tilespmem:s22], [sflag:$0x2] =	stream.indirect.gather [hbm4b:s1+s20], $0x40, s26, s20, $0xb8;
	[tilespmem:$0x1AB80] =	vst v63  }
0x2f: {  	_ =	swait.ge [sflag:s23], $0x2000  }
0x30: {  	[sflag:s23] =	ssyncset.done $0x0  }
0x31: {  	s0 =	simm.s32 $0x4F00;
	[sflag:s23] =	ssyncadd.s32 $0xFFFFE000  }
0x32: {  	[spmem:s4] =	stream.indirect.scatter.add.f32 [tilespmem:s21], [sflag:$0x4], $0x40, s0, s20, $0xb8;
	[tilespmem:$0x1AB80] =	vst v63  }
0x33: {  	_ =	swait.ge [sflag:s24], $0x2000  }
0x34: {  	[sflag:s24] =	ssyncset.done $0x0  }
0x35: {  	s28 =	simm.s32 $0x100;
	[sflag:s24] =	ssyncadd.s32 $0xFFFFE000  }
0x36: {  	[tilespmem:s21], [sflag:$0x1] =	stream.indirect.gather [hbm4b:s1+s20], $0x40, s28, s20, $0xb8;
	[tilespmem:$0x1AB80] =	vst v63  }
0x37: {  	s30 =	simm.s32 @!p0 $0x80;
	s31 =	simm.s32 @!p0 $0x17C00;
	s3 =	simm.s32 @!p0 $0x4  }
0x38: {  	[spmem:s5] =	stream.indirect.scatter.add.f32 @!p0 [tilespmem:s31], [sflag:$0x4], $0x10, s0, s30, $0xb8;
	[tilespmem:$0x1AB80] =	vst v63  }
0x39: {  	_ =	swait.ge @!p0 [sflag:s3], $0x800  }
0x3a: {  	[sflag:s3] =	ssyncset.done @!p0 $0x0  }
0x3b: {  	[sflag:s3] =	ssyncadd.s32 @!p0 $0xFFFFF800  }
0x3c: {  	_ =	swait.ge [sflag:s25], $0x2000  }
0x3d: {  	[sflag:s25] =	ssyncset.done $0x0  }
0x3e: {  	s0 =	simm.s32 $0x4F80;
	[sflag:s25] =	ssyncadd.s32 $0xFFFFE000  }
0x3f: {  	[spmem:s4] =	stream.indirect.scatter.add.f32 [tilespmem:s22], [sflag:$0x4], $0x40, s0, s20, $0xb8;
	[tilespmem:$0x1AB80] =	vst v63  }
0x40: {  	_ =	swait.ge [sflag:s24], $0x2000  }
0x41: {  	s2 =	simm.s32 @!p1 $0x3;
	[sflag:s24] =	ssyncset.done $0x0  }
0x42: {  	s18 =	simm.s32 @!p1 $0x80;
	s19 =	simm.s32 @!p1 $0x17C00;
	[sflag:s24] =	ssyncadd.s32 $0xFFFFE000  }
0x43: {  	[spmem:s5] =	stream.indirect.scatter.add.f32 @!p1 [tilespmem:s19], [sflag:$0x3], $0x10, s0, s18, $0xb8;
	[tilespmem:$0x1AB80] =	vst v63  }
0x44: {  	_ =	swait.ge @!p1 [sflag:s2], $0x800  }
0x45: {  	s26 =	simm.s32 $0x800;
	s0 =	simm.s32 $0x100;
	[sflag:s2] =	ssyncset.done @!p1 $0x0  }
.LBB2_2:
0x46: {  	s28 =	sadd.s32 $0x80, s0  }
0x47: {  	[sflag:s2] =	ssyncadd.s32 @!p1 $0xFFFFF800;
	s7 =	smov.u32 s26;
	s26 =	sadd.s32 $0x400, s26  }
0x48: {  	[tilespmem:s22], [sflag:$0x2] =	stream.indirect.gather [hbm4b:s1+s20], $0x40, s28, s20, $0xb8;
	[tilespmem:$0x1AB80] =	vst v63  }
0x49: {  	p2 =	sne.s32 s26, $0x13800;
	_ =	swait.ge [sflag:s23], $0x2000  }
0x4a: {  	[sflag:s23] =	ssyncset.done $0x0  }
0x4b: {  	s28 =	sadd.s32 $0x4F00, s0;
	[sflag:s23] =	ssyncadd.s32 $0xFFFFE000  }
0x4c: {  	[spmem:s4] =	stream.indirect.scatter.add.f32 [tilespmem:s21], [sflag:$0x4], $0x40, s28, s20, $0xb8;
	[tilespmem:$0x1AB80] =	vst v63  }
0x4d: {  	_ =	swait.ge [sflag:s24], $0x2000  }
0x4e: {  	[sflag:s24] =	ssyncset.done $0x0  }
0x4f: {  	s9 =	sadd.s32 $0x100, s0;
	[sflag:s24] =	ssyncadd.s32 $0xFFFFE000  }
0x50: {  	[tilespmem:s21], [sflag:$0x1] =	stream.indirect.gather [hbm4b:s1+s20], $0x40, s9, s20, $0xb8;
	[tilespmem:$0x1AB80] =	vst v63  }
0x51: {  	_ = 	snop  }
0x52: {  	[spmem:s5] =	stream.indirect.scatter.add.f32 @!p0 [tilespmem:s31], [sflag:$0x4], $0x10, s28, s30, $0xb8;
	[tilespmem:$0x1AB80] =	vst v63  }
0x53: {  	_ =	swait.ge @!p0 [sflag:s3], $0x800  }
0x54: {  	[sflag:s3] =	ssyncset.done @!p0 $0x0  }
0x55: {  	[sflag:s3] =	ssyncadd.s32 @!p0 $0xFFFFF800  }
0x56: {  	_ =	swait.ge [sflag:s25], $0x2000  }
0x57: {  	[sflag:s25] =	ssyncset.done $0x0  }
0x58: {  	s0 =	sadd.s32 $0x4F80, s0;
	[sflag:s25] =	ssyncadd.s32 $0xFFFFE000  }
0x59: {  	[spmem:s4] =	stream.indirect.scatter.add.f32 [tilespmem:s22], [sflag:$0x4], $0x40, s0, s20, $0xb8;
	[tilespmem:$0x1AB80] =	vst v63  }
0x5a: {  	_ =	swait.ge [sflag:s24], $0x2000  }
.Ltmp0:
0x5b: {  	[sflag:s24] =	ssyncset.done $0x0;
	(pc) =	sbr.rel @p2 .LBB2_2-.Ltmp0, $4  }
0x5c: {  	[sflag:s24] =	ssyncadd.s32 $0xFFFFE000  }
0x5d: {  	[spmem:s5] =	stream.indirect.scatter.add.f32 @!p1 [tilespmem:s19], [sflag:$0x3], $0x10, s0, s18, $0xb8;
	[tilespmem:$0x1AB80] =	vst v63  }
0x5e: {  	_ =	swait.ge @!p1 [sflag:s2], $0x800  }
0x5f: {  	s0 =	sshra.s32 s7, $0x2;
	[sflag:s2] =	ssyncset.done @!p1 $0x0  }
0x60: {  	s3 =	sadd.s32 $0x80, s0;
	[sflag:s2] =	ssyncadd.s32 @!p1 $0xFFFFF800  }
0x61: {  	[tilespmem:s22], [sflag:$0x2] =	stream.indirect.gather [hbm4b:s1+s20], $0x40, s3, s20, $0xb8;
	[tilespmem:$0x1AB80] =	vst v63  }
0x62: {  	_ =	swait.ge [sflag:s23], $0x2000  }
0x63: {  	[sflag:s23] =	ssyncset.done $0x0  }
0x64: {  	s2 =	sadd.s32 $0x4F00, s0;
	[sflag:s23] =	ssyncadd.s32 $0xFFFFE000  }
0x65: {  	[spmem:s4] =	stream.indirect.scatter.add.f32 [tilespmem:s21], [sflag:$0x4], $0x40, s2, s20, $0xb8;
	[tilespmem:$0x1AB80] =	vst v63  }
0x66: {  	_ =	swait.ge [sflag:s24], $0x2000  }
0x67: {  	[sflag:s24] =	ssyncset.done $0x0  }
0x68: {  	s28 =	sadd.s32 $0x100, s0;
	[sflag:s24] =	ssyncadd.s32 $0xFFFFE000  }
0x69: {  	[tilespmem:s21], [sflag:$0x1] =	stream.indirect.gather [hbm4b:s1+s20], $0x40, s28, s20, $0xb8;
	[tilespmem:$0x1AB80] =	vst v63  }
0x6a: {  	s7 =	simm.s32 @!p0 $0x17C00;
	s9 =	simm.s32 @!p0 $0x4;
	s3 =	simm.s32 @!p0 $0x80  }
0x6b: {  	[spmem:s5] =	stream.indirect.scatter.add.f32 @!p0 [tilespmem:s7], [sflag:$0x4], $0x10, s2, s3, $0xb8;
	[tilespmem:$0x1AB80] =	vst v63  }
0x6c: {  	_ =	swait.ge @!p0 [sflag:s9], $0x800  }
0x6d: {  	[sflag:s9] =	ssyncset.done @!p0 $0x0  }
0x6e: {  	[sflag:s9] =	ssyncadd.s32 @!p0 $0xFFFFF800  }
0x6f: {  	_ =	swait.ge [sflag:s25], $0x2000  }
0x70: {  	[sflag:s25] =	ssyncset.done $0x0  }
0x71: {  	s0 =	sadd.s32 $0x4F80, s0;
	[sflag:s25] =	ssyncadd.s32 $0xFFFFE000  }
0x72: {  	[spmem:s4] =	stream.indirect.scatter.add.f32 [tilespmem:s22], [sflag:$0x4], $0x40, s0, s20, $0xb8;
	[tilespmem:$0x1AB80] =	vst v63  }
0x73: {  	_ =	swait.ge [sflag:s24], $0x2000  }
0x74: {  	s18 =	simm.s32 @!p1 $0x80;
	[sflag:s24] =	ssyncset.done $0x0  }
0x75: {  	s19 =	simm.s32 @!p1 $0x17C00;
	s2 =	simm.s32 @!p1 $0x3;
	[sflag:s24] =	ssyncadd.s32 $0xFFFFE000  }
0x76: {  	[spmem:s5] =	stream.indirect.scatter.add.f32 @!p1 [tilespmem:s19], [sflag:$0x3], $0x10, s0, s18, $0xb8;
	[tilespmem:$0x1AB80] =	vst v63  }
0x77: {  	_ =	swait.ge @!p1 [sflag:s2], $0x800  }
0x78: {  	[sflag:s2] =	ssyncset.done @!p1 $0x0  }
0x79: {  	s30 =	simm.s32 $0x4E80;
	[sflag:s2] =	ssyncadd.s32 @!p1 $0xFFFFF800  }
0x7a: {  	[tilespmem:s22], [sflag:$0x2] =	stream.indirect.gather [hbm4b:s1+s20], $0x40, s30, s20, $0xb8;
	[tilespmem:$0x1AB80] =	vst v63  }
0x7b: {  	_ =	swait.ge [sflag:s23], $0x2000  }
0x7c: {  	[sflag:s23] =	ssyncset.done $0x0  }
0x7d: {  	s31 =	simm.s32 $0x9D00;
	[sflag:s23] =	ssyncadd.s32 $0xFFFFE000  }
0x7e: {  	[spmem:s4] =	stream.indirect.scatter.add.f32 [tilespmem:s21], [sflag:$0x4], $0x40, s31, s20, $0xb8;
	[tilespmem:$0x1AB80] =	vst v63  }
0x7f: {  	_ =	swait.ge [sflag:s24], $0x2000  }
0x80: {  	[sflag:s24] =	ssyncset.done $0x0  }
0x81: {  	s0 =	simm.s32 @p0 $0x2;
	[sflag:s24] =	ssyncadd.s32 $0xFFFFE000  }
0x82: {  	_ =	swait.ge @p0 [sflag:s0], $0x2000  }
0x83: {  	s18 =	simm.s32 @p0 $0xBE00;
	[sflag:s0] =	ssyncset.done @p0 $0x0  }
0x84: {  	s2 =	simm.s32 @p0 $0x9D80;
	[sflag:s0] =	ssyncadd.s32 @p0 $0xFFFFE000;
	s0 =	simm.s32 @p0 $0x80  }
0x85: {  	[spmem:s4] =	stream.indirect.scatter.add.f32 @p0 [tilespmem:s18], [sflag:$0x4], $0x40, s2, s0, $0xb8;
	[tilespmem:$0x1AB80] =	vst v63  }
0x86: {  	s18 =	simm.s32 @p0 $0x4  }
0x87: {  	_ =	swait.ge @p0 [sflag:s18], $0x2000  }
0x88: {  	[sflag:s18] =	ssyncset.done @p0 $0x0  }
0x89: {  	[sflag:s18] =	ssyncadd.s32 @p0 $0xFFFFE000;
	s18 =	simm.s32 @p0 $0x17C00  }
0x8a: {  	[spmem:s5] =	stream.indirect.scatter.add.f32 @p0 [tilespmem:s18], [sflag:$0x3], $0x10, s2, s0, $0xb8;
	[tilespmem:$0x1AB80] =	vst v63  }
0x8b: {  	s0 =	simm.s32 @p0 $0x3  }
0x8c: {  	_ =	swait.ge @p0 [sflag:s0], $0x800  }
0x8d: {  	[sflag:s0] =	ssyncset.done @p0 $0x0  }
0x8e: {  	[sflag:s0] =	ssyncadd.s32 @p0 $0xFFFFF800;
	s0 =	simm.s32 @!p0 $0x9D00  }
0x8f: {  	[spmem:s5] =	stream.indirect.scatter.add.f32 @!p0 [tilespmem:s7], [sflag:$0x4], $0x10, s0, s3, $0xb8;
	[tilespmem:$0x1AB80] =	vst v63  }
0x90: {  	_ =	swait.ge @!p0 [sflag:s9], $0x800  }
0x91: {  	[sflag:s9] =	ssyncset.done @!p0 $0x0  }
0x92: {  	s0 =	simm.s32 @!p0 $0x2;
	[sflag:s9] =	ssyncadd.s32 @!p0 $0xFFFFF800  }
0x93: {  	_ =	swait.ge @!p0 [sflag:s0], $0x2000  }
0x94: {  	[sflag:s0] =	ssyncset.done @!p0 $0x0  }
0x95: {  	s2 =	simm.s32 @!p0 $0xBE00;
	[sflag:s0] =	ssyncadd.s32 @!p0 $0xFFFFE000;
	s0 =	simm.s32 @!p0 $0x9D80  }
0x96: {  	[spmem:s4] =	stream.indirect.scatter.add.f32 @!p0 [tilespmem:s2], [sflag:$0x4], $0x40, s0, s3, $0xb8;
	[tilespmem:$0x1AB80] =	vst v63  }
0x97: {  	_ =	swait.ge @!p0 [sflag:s9], $0x2000  }
0x98: {  	[sflag:s9] =	ssyncset.done @!p0 $0x0  }
0x99: {  	[sflag:s9] =	ssyncadd.s32 @!p0 $0xFFFFE000  }
0x9a: {  	[bflag:$0x0] =	sbarrier.arrive $0xFFFF  }
0x9b: {  	[hbm:s12], [sflag:s8] =	dma.local [spmem:s15], $0x13C0  }
0x9c: {  	s29 =	sadd.s32 $0x1, s29;
	_ =	swait.ge [sflag:s16], $0x13C0  }
0x9d: {  	p2 =	sne.s32 s29, s14;
	[sflag:s16] =	ssyncset.done $0x0  }
.Ltmp1:
0x9e: {  	[sflag:s16] =	ssyncadd.s32 $0xFFFFEC40;
	(pc) =	sbr.rel @p2 .LBB2_1-.Ltmp1, $4  }
0x9f: {  	[hbm:s13], [sflag:s8] =	dma.local [spmem:s17], $0x4F0  }
0xa0: {  	_ =	swait.ge [sflag:s16], $0x4F0  }
0xa1: {  	[sflag:s16] =	ssyncset.done $0x0  }
0xa2: {  	[sflag:s16] =	ssyncadd.s32 $0xFFFFFB10  }
0xa3: {  	_ =	sfence.sel $0x180000  }
0xa4: {  	[bflag:$0x0] =	sbarrier.arrive $0xFFFF  }
0xa5: {  	_ =	strace $0x90000047  }
0xa6: {  	s0 =	stileid.u32;
	[bflag:$0x2] =	sbarrier.arrive $0xFFFF  }
0xa7: {  	p0 =	sne.s32 s0, $0x0;
	s0 =	rddreg [dreg:$0x5]  }
0xa8: {  	s0 =	sadd.s32 @!p0 $0x100000, s0  }
0xa9: {  	[sflag:s0] =	ssyncadd.tile.s32 @!p0 $0x1;
	_ =	shalt  }
.Lfunc_end2:
_tile_overlayer_lowered:
.L_overlay_start_2:
0xaa: {  	(tag) =	ssettag $0x2  }
0xab: {  	s0 =	rddreg [dreg:$0x0];
	s2 =	stileid.u32  }
0xac: {  	s1 =	rddreg [dreg:$0x1];
	p0 =	sne.s32 s2, $0x0  }
0xad: {  	s3 =	rddreg [dreg:$0x2];
	[bflag:$0x3] =	sbarrier.arrive $0xFFFF;
	s2 =	simm.s32 @!p0 $0x1C03  }
0xae: {  	[timem:s3], [sflag:s2] =	dma.local @!p0 [hbm:s0], s1  }
0xaf: {  	s0 =	simm.s32 @!p0 $0x3  }
0xb0: {  	_ =	swait.ge @!p0 [sflag:s0], s1  }
0xb1: {  	s1 =	ssub.s32 @!p0 $0x0, s1;
	[sflag:s0] =	ssyncset.done @!p0 $0x0  }
0xb2: {  	[sflag:s0] =	ssyncadd.s32 @!p0 s1  }
0xb3: {  	[bflag:$0x3] =	sbarrier.arrive $0xFFFF  }
0xb4: {  	_ =	shalt  }

</sc_bundles>
